<compile_context>
chip_gen: v7x
topology: tpu7x:2x2x1
jax: 0.10.2.dev20260603
libtpu: 0.0.44.dev20260713+nightly
codegen_flags: <defaults>
</compile_context>

<pallas_src>
import functools

import jax
import jax.numpy as jnp
from jax import lax
from jax.experimental import pallas as pl
from jax.experimental.pallas import tpu as pltpu
from jax.experimental.pallas import tpu_sc as plsc

_CHUNK = 128
_DP = 128


@functools.lru_cache(maxsize=None)
def _make_gather_kernel(B, D, NC, NS):
    NW = NC * NS
    b_per_w = B // NW
    n_chunks = b_per_w // _CHUNK
    mesh = plsc.VectorSubcoreMesh(core_axis_name="c", subcore_axis_name="s")

    @functools.partial(
        pl.kernel,
        mesh=mesh,
        out_type=jax.ShapeDtypeStruct((B, _DP), jnp.float32),
        scratch_types=[
            pltpu.VMEM((n_chunks, _CHUNK), jnp.int32),
            pltpu.VMEM((b_per_w, _DP), jnp.float32),
            pltpu.SemaphoreType.DMA,
        ],
    )
    def gather_scale(idx_hbm, tab_hbm, out_hbm, idx_v, rows_v, sem):
        wid = lax.axis_index("s") * NC + lax.axis_index("c")
        base = wid * b_per_w
        for j in range(n_chunks):
            pltpu.sync_copy(idx_hbm.at[pl.ds(base + j * _CHUNK, _CHUNK)],
                            idx_v.at[j])
        copies = [
            pltpu.async_copy(
                tab_hbm.at[idx_v.at[j]],
                rows_v.at[pl.ds(j * _CHUNK, _CHUNK)], sem)
            for j in range(n_chunks)
        ]
        for j, c in enumerate(copies):
            c.wait()

            def scale_row(r, carry, j=j):
                for k in range(D // 16):
                    sl = pl.ds(k * 16, 16)
                    rows_v[j * _CHUNK + r, sl] = (
                        rows_v[j * _CHUNK + r, sl] * 0.25)
                return carry

            lax.fori_loop(0, _CHUNK, scale_row, 0)
        pltpu.sync_copy(rows_v, out_hbm.at[pl.ds(base, b_per_w)])

    return gather_scale


def kernel(users, items, user_table, item_table, edge_user, edge_item):
    B = users.shape[0]
    N, D = user_table.shape
    info = plsc.get_sparse_core_info()
    fn = _make_gather_kernel(B, D, info.num_cores, info.num_subcores)
    utp = jnp.pad(user_table, ((0, 0), (0, _DP - D)))
    itp = jnp.pad(item_table, ((0, 0), (0, _DP - D)))
    out_u = fn(users, utp)
    out_i = fn(items, itp)
    return out_u[:, :D], out_i[:, :D]

# --- scband reference (transcript-rebuilt; emitter-appended) ---
"""Pipeline reference for scband-light-gcn-18382460027569 (READ-ONLY COPY).

The authoritative reference and input builder live on the scoring server;
editing this copy changes nothing except your own understanding.
"""

import jax, jax.numpy as jnp
import numpy as np

N_USERS = 100000
N_ITEMS = 100000
EMB = 64
N_LAYERS = 3
N_EDGES = 1600000
BATCH = 16384


def setup_inputs(seed: int = 0) -> dict:
    key = jax.random.key(seed)
    ku, ki, kqu, kqi = jax.random.split(key, 4)
    user_table = jax.random.normal(ku, (N_USERS, EMB), dtype=jnp.float32) * 0.1
    item_table = jax.random.normal(ki, (N_ITEMS, EMB), dtype=jnp.float32) * 0.1
    rs = np.random.RandomState(0)
    edge_user = jnp.asarray(rs.randint(0, N_USERS, size=N_EDGES), dtype=jnp.int32)
    edge_item = jnp.asarray(rs.randint(0, N_ITEMS, size=N_EDGES), dtype=jnp.int32)
    users = jax.random.randint(kqu, (BATCH,), 0, N_USERS, dtype=jnp.int32)
    items = jax.random.randint(kqi, (BATCH,), 0, N_ITEMS, dtype=jnp.int32)
    return {
        'users': users,
        'items': items,
        'user_table': user_table,
        'item_table': item_table,
        'edge_user': edge_user,
        'edge_item': edge_item,
    }


def reference(users, items, user_table, item_table, edge_user, edge_item):
    n_users = user_table.shape[0]
    n_items = item_table.shape[0]
    n_total = n_users + n_items
    # build_adj_matrix: rows = user ids, cols = item ids + n_users, binary values
    row = edge_user
    col = edge_item + n_users
    vals = jnp.ones(row.shape[0], dtype=jnp.float32)
    # symmetric-normalization as written in the torch module (row-sums only; item
    # rows have zero degree -> d_inv_sqrt = 0 there, exactly matching torch)
    row_sum = jax.ops.segment_sum(vals, row, num_segments=n_total)
    d_inv_sqrt = jnp.power(row_sum, -0.5)
    d_inv_sqrt = jnp.where(jnp.isinf(d_inv_sqrt), 0.0, d_inv_sqrt)
    norm_vals = d_inv_sqrt[row] * vals * d_inv_sqrt[col]
    # propagate
    all_emb = jnp.concatenate([user_table, item_table], axis=0)
    layer_embs = [all_emb]
    x = all_emb
    for _ in range(N_LAYERS):
        gathered = norm_vals[:, None] * x[col]           # gather (SparseCore)
        x = jax.ops.segment_sum(gathered, row, num_segments=n_total)  # scatter-add
        layer_embs.append(x)
    final = jnp.stack(layer_embs, axis=1).mean(axis=1)
    final_user = final[:n_users]
    final_item = final[n_users:]
    return (final_user[users], final_item[items])

if __name__ == "__main__":
    import jax
    _d = setup_inputs()
    print(jax.jit(kernel)(*tuple(_d.values())))

</pallas_src>

<mosaic_0001>
#map = affine_map<(d0, d1) -> (0)>
#map1 = affine_map<(d0, d1) -> (0, 0)>
module attributes {stable_mosaic.version = 14 : i64} {
  func.func @gather_scale(%arg0: i32, %arg1: i32, %arg2: memref<16384xi32, #tpu.memory_space<hbm>>, %arg3: memref<100000x128xf32, #tpu.memory_space<hbm>>, %arg4: memref<16384x128xf32, #tpu.memory_space<hbm>>, %arg5: memref<4x128xi32, #tpu.memory_space<vmem>>, %arg6: memref<512x128xf32, #tpu.memory_space<vmem>>, %arg7: memref<!tpu.dma_semaphore, #tpu.memory_space<semaphore_mem>>) attributes {dimension_semantics = [#tpu.dimension_semantics<core_parallel>, #tpu.dimension_semantics<subcore_parallel>], iteration_bounds = array<i64: 2, 16>, scalar_prefetch = 0 : i64, scratch_operands = 3 : i64, tpu.core_type = #tpu.core_type<sc_vector_subcore>, window_params = [{transform_indices = #map}, {transform_indices = #map1}, {transform_indices = #map1}]} {
    %mul3A = arith.constant 2 : i32
    %mul3A_0 = arith.muli %arg1, %mul3A : i32
    %add3A = arith.addi %mul3A_0, %arg0 : i32
    %mul3A_1 = arith.constant 512 : i32
    %mul3A_2 = arith.muli %add3A, %mul3A_1 : i32
    %add3A_3 = arith.constant 0 : i32
    %add3A_4 = arith.addi %mul3A_2, %add3A_3 : i32
    %run_scoped3A = arith.constant 0 : i32
    "tpu.region"() ({
      %run_scoped3A_115 = tpu.sem_alloc : memref<!tpu.dma_semaphore, #tpu.memory_space<semaphore_mem>>
      %dma_start3A_116 = arith.constant 0 : i32
      %dma_start3A_117 = tpu.memref_slice %arg5[%run_scoped3A, %dma_start3A_116] : memref<4x128xi32, #tpu.memory_space<vmem>> -> memref<1x128xi32, #tpu.memory_space<vmem>>
      %dma_start3A_118 = tpu.memref_squeeze %dma_start3A_117 : memref<1x128xi32, #tpu.memory_space<vmem>> -> memref<128xi32, #tpu.memory_space<vmem>>
      %dma_start3A_119 = tpu.memref_slice %arg2[%add3A_4] : memref<16384xi32, #tpu.memory_space<hbm>> -> memref<128xi32, #tpu.memory_space<hbm>>
      %dma_start3A_120 = arith.constant 0 : i32
      %dma_start3A_121 = tpu.memref_slice %arg5[%run_scoped3A, %dma_start3A_120] : memref<4x128xi32, #tpu.memory_space<vmem>> -> memref<1x128xi32, #tpu.memory_space<vmem>>
      %dma_start3A_122 = tpu.memref_squeeze %dma_start3A_121 : memref<1x128xi32, #tpu.memory_space<vmem>> -> memref<128xi32, #tpu.memory_space<vmem>>
      %dma_start3A_123 = tpu.memref_slice %arg2[%add3A_4] : memref<16384xi32, #tpu.memory_space<hbm>> -> memref<128xi32, #tpu.memory_space<hbm>>
      tpu.enqueue_dma source(%dma_start3A_123 : memref<128xi32, #tpu.memory_space<hbm>>) target(%dma_start3A_122 : memref<128xi32, #tpu.memory_space<vmem>>) target_semaphore(%run_scoped3A_115 : memref<!tpu.dma_semaphore, #tpu.memory_space<semaphore_mem>>)
      %dma_wait3A_124 = arith.constant 0 : i32
      %dma_wait3A_125 = tpu.memref_slice %arg5[%run_scoped3A, %dma_wait3A_124] : memref<4x128xi32, #tpu.memory_space<vmem>> -> memref<1x128xi32, #tpu.memory_space<vmem>>
      %dma_wait3A_126 = tpu.memref_squeeze %dma_wait3A_125 : memref<1x128xi32, #tpu.memory_space<vmem>> -> memref<128xi32, #tpu.memory_space<vmem>>
      %dma_wait3A_127 = tpu.memref_slice %arg2[%add3A_4] : memref<16384xi32, #tpu.memory_space<hbm>> -> memref<128xi32, #tpu.memory_space<hbm>>
      %dma_wait3A_128 = arith.constant 0 : i32
      %dma_wait3A_129 = tpu.memref_slice %arg5[%run_scoped3A, %dma_wait3A_128] : memref<4x128xi32, #tpu.memory_space<vmem>> -> memref<1x128xi32, #tpu.memory_space<vmem>>
      %dma_wait3A_130 = tpu.memref_squeeze %dma_wait3A_129 : memref<1x128xi32, #tpu.memory_space<vmem>> -> memref<128xi32, #tpu.memory_space<vmem>>
      %dma_wait3A_131 = tpu.memref_slice %arg2[%add3A_4] : memref<16384xi32, #tpu.memory_space<hbm>> -> memref<128xi32, #tpu.memory_space<hbm>>
      tpu.wait_dma2 semaphore(%run_scoped3A_115 : memref<!tpu.dma_semaphore, #tpu.memory_space<semaphore_mem>>) src(%dma_wait3A_131 : memref<128xi32, #tpu.memory_space<hbm>>) dst(%dma_wait3A_130 : memref<128xi32, #tpu.memory_space<vmem>>)
      tpu.yield
    }) : () -> ()
    %add3A_5 = arith.constant 128 : i32
    %add3A_6 = arith.addi %mul3A_2, %add3A_5 : i32
    %run_scoped3A_7 = arith.constant 1 : i32
    "tpu.region"() ({
      %run_scoped3A_115 = tpu.sem_alloc : memref<!tpu.dma_semaphore, #tpu.memory_space<semaphore_mem>>
      %dma_start3A_116 = arith.constant 0 : i32
      %dma_start3A_117 = tpu.memref_slice %arg5[%run_scoped3A_7, %dma_start3A_116] : memref<4x128xi32, #tpu.memory_space<vmem>> -> memref<1x128xi32, #tpu.memory_space<vmem>>
      %dma_start3A_118 = tpu.memref_squeeze %dma_start3A_117 : memref<1x128xi32, #tpu.memory_space<vmem>> -> memref<128xi32, #tpu.memory_space<vmem>>
      %dma_start3A_119 = tpu.memref_slice %arg2[%add3A_6] : memref<16384xi32, #tpu.memory_space<hbm>> -> memref<128xi32, #tpu.memory_space<hbm>>
      %dma_start3A_120 = arith.constant 0 : i32
      %dma_start3A_121 = tpu.memref_slice %arg5[%run_scoped3A_7, %dma_start3A_120] : memref<4x128xi32, #tpu.memory_space<vmem>> -> memref<1x128xi32, #tpu.memory_space<vmem>>
      %dma_start3A_122 = tpu.memref_squeeze %dma_start3A_121 : memref<1x128xi32, #tpu.memory_space<vmem>> -> memref<128xi32, #tpu.memory_space<vmem>>
      %dma_start3A_123 = tpu.memref_slice %arg2[%add3A_6] : memref<16384xi32, #tpu.memory_space<hbm>> -> memref<128xi32, #tpu.memory_space<hbm>>
      tpu.enqueue_dma source(%dma_start3A_123 : memref<128xi32, #tpu.memory_space<hbm>>) target(%dma_start3A_122 : memref<128xi32, #tpu.memory_space<vmem>>) target_semaphore(%run_scoped3A_115 : memref<!tpu.dma_semaphore, #tpu.memory_space<semaphore_mem>>)
      %dma_wait3A_124 = arith.constant 0 : i32
      %dma_wait3A_125 = tpu.memref_slice %arg5[%run_scoped3A_7, %dma_wait3A_124] : memref<4x128xi32, #tpu.memory_space<vmem>> -> memref<1x128xi32, #tpu.memory_space<vmem>>
      %dma_wait3A_126 = tpu.memref_squeeze %dma_wait3A_125 : memref<1x128xi32, #tpu.memory_space<vmem>> -> memref<128xi32, #tpu.memory_space<vmem>>
      %dma_wait3A_127 = tpu.memref_slice %arg2[%add3A_6] : memref<16384xi32, #tpu.memory_space<hbm>> -> memref<128xi32, #tpu.memory_space<hbm>>
      %dma_wait3A_128 = arith.constant 0 : i32
      %dma_wait3A_129 = tpu.memref_slice %arg5[%run_scoped3A_7, %dma_wait3A_128] : memref<4x128xi32, #tpu.memory_space<vmem>> -> memref<1x128xi32, #tpu.memory_space<vmem>>
      %dma_wait3A_130 = tpu.memref_squeeze %dma_wait3A_129 : memref<1x128xi32, #tpu.memory_space<vmem>> -> memref<128xi32, #tpu.memory_space<vmem>>
      %dma_wait3A_131 = tpu.memref_slice %arg2[%add3A_6] : memref<16384xi32, #tpu.memory_space<hbm>> -> memref<128xi32, #tpu.memory_space<hbm>>
      tpu.wait_dma2 semaphore(%run_scoped3A_115 : memref<!tpu.dma_semaphore, #tpu.memory_space<semaphore_mem>>) src(%dma_wait3A_131 : memref<128xi32, #tpu.memory_space<hbm>>) dst(%dma_wait3A_130 : memref<128xi32, #tpu.memory_space<vmem>>)
      tpu.yield
    }) : () -> ()
    %add3A_8 = arith.constant 256 : i32
    %add3A_9 = arith.addi %mul3A_2, %add3A_8 : i32
    %run_scoped3A_10 = arith.constant 2 : i32
    "tpu.region"() ({
      %run_scoped3A_115 = tpu.sem_alloc : memref<!tpu.dma_semaphore, #tpu.memory_space<semaphore_mem>>
      %dma_start3A_116 = arith.constant 0 : i32
      %dma_start3A_117 = tpu.memref_slice %arg5[%run_scoped3A_10, %dma_start3A_116] : memref<4x128xi32, #tpu.memory_space<vmem>> -> memref<1x128xi32, #tpu.memory_space<vmem>>
      %dma_start3A_118 = tpu.memref_squeeze %dma_start3A_117 : memref<1x128xi32, #tpu.memory_space<vmem>> -> memref<128xi32, #tpu.memory_space<vmem>>
      %dma_start3A_119 = tpu.memref_slice %arg2[%add3A_9] : memref<16384xi32, #tpu.memory_space<hbm>> -> memref<128xi32, #tpu.memory_space<hbm>>
      %dma_start3A_120 = arith.constant 0 : i32
      %dma_start3A_121 = tpu.memref_slice %arg5[%run_scoped3A_10, %dma_start3A_120] : memref<4x128xi32, #tpu.memory_space<vmem>> -> memref<1x128xi32, #tpu.memory_space<vmem>>
      %dma_start3A_122 = tpu.memref_squeeze %dma_start3A_121 : memref<1x128xi32, #tpu.memory_space<vmem>> -> memref<128xi32, #tpu.memory_space<vmem>>
      %dma_start3A_123 = tpu.memref_slice %arg2[%add3A_9] : memref<16384xi32, #tpu.memory_space<hbm>> -> memref<128xi32, #tpu.memory_space<hbm>>
      tpu.enqueue_dma source(%dma_start3A_123 : memref<128xi32, #tpu.memory_space<hbm>>) target(%dma_start3A_122 : memref<128xi32, #tpu.memory_space<vmem>>) target_semaphore(%run_scoped3A_115 : memref<!tpu.dma_semaphore, #tpu.memory_space<semaphore_mem>>)
      %dma_wait3A_124 = arith.constant 0 : i32
      %dma_wait3A_125 = tpu.memref_slice %arg5[%run_scoped3A_10, %dma_wait3A_124] : memref<4x128xi32, #tpu.memory_space<vmem>> -> memref<1x128xi32, #tpu.memory_space<vmem>>
      %dma_wait3A_126 = tpu.memref_squeeze %dma_wait3A_125 : memref<1x128xi32, #tpu.memory_space<vmem>> -> memref<128xi32, #tpu.memory_space<vmem>>
      %dma_wait3A_127 = tpu.memref_slice %arg2[%add3A_9] : memref<16384xi32, #tpu.memory_space<hbm>> -> memref<128xi32, #tpu.memory_space<hbm>>
      %dma_wait3A_128 = arith.constant 0 : i32
      %dma_wait3A_129 = tpu.memref_slice %arg5[%run_scoped3A_10, %dma_wait3A_128] : memref<4x128xi32, #tpu.memory_space<vmem>> -> memref<1x128xi32, #tpu.memory_space<vmem>>
      %dma_wait3A_130 = tpu.memref_squeeze %dma_wait3A_129 : memref<1x128xi32, #tpu.memory_space<vmem>> -> memref<128xi32, #tpu.memory_space<vmem>>
      %dma_wait3A_131 = tpu.memref_slice %arg2[%add3A_9] : memref<16384xi32, #tpu.memory_space<hbm>> -> memref<128xi32, #tpu.memory_space<hbm>>
      tpu.wait_dma2 semaphore(%run_scoped3A_115 : memref<!tpu.dma_semaphore, #tpu.memory_space<semaphore_mem>>) src(%dma_wait3A_131 : memref<128xi32, #tpu.memory_space<hbm>>) dst(%dma_wait3A_130 : memref<128xi32, #tpu.memory_space<vmem>>)
      tpu.yield
    }) : () -> ()
    %add3A_11 = arith.constant 384 : i32
    %add3A_12 = arith.addi %mul3A_2, %add3A_11 : i32
    %run_scoped3A_13 = arith.constant 3 : i32
    "tpu.region"() ({
      %run_scoped3A_115 = tpu.sem_alloc : memref<!tpu.dma_semaphore, #tpu.memory_space<semaphore_mem>>
      %dma_start3A_116 = arith.constant 0 : i32
      %dma_start3A_117 = tpu.memref_slice %arg5[%run_scoped3A_13, %dma_start3A_116] : memref<4x128xi32, #tpu.memory_space<vmem>> -> memref<1x128xi32, #tpu.memory_space<vmem>>
      %dma_start3A_118 = tpu.memref_squeeze %dma_start3A_117 : memref<1x128xi32, #tpu.memory_space<vmem>> -> memref<128xi32, #tpu.memory_space<vmem>>
      %dma_start3A_119 = tpu.memref_slice %arg2[%add3A_12] : memref<16384xi32, #tpu.memory_space<hbm>> -> memref<128xi32, #tpu.memory_space<hbm>>
      %dma_start3A_120 = arith.constant 0 : i32
      %dma_start3A_121 = tpu.memref_slice %arg5[%run_scoped3A_13, %dma_start3A_120] : memref<4x128xi32, #tpu.memory_space<vmem>> -> memref<1x128xi32, #tpu.memory_space<vmem>>
      %dma_start3A_122 = tpu.memref_squeeze %dma_start3A_121 : memref<1x128xi32, #tpu.memory_space<vmem>> -> memref<128xi32, #tpu.memory_space<vmem>>
      %dma_start3A_123 = tpu.memref_slice %arg2[%add3A_12] : memref<16384xi32, #tpu.memory_space<hbm>> -> memref<128xi32, #tpu.memory_space<hbm>>
      tpu.enqueue_dma source(%dma_start3A_123 : memref<128xi32, #tpu.memory_space<hbm>>) target(%dma_start3A_122 : memref<128xi32, #tpu.memory_space<vmem>>) target_semaphore(%run_scoped3A_115 : memref<!tpu.dma_semaphore, #tpu.memory_space<semaphore_mem>>)
      %dma_wait3A_124 = arith.constant 0 : i32
      %dma_wait3A_125 = tpu.memref_slice %arg5[%run_scoped3A_13, %dma_wait3A_124] : memref<4x128xi32, #tpu.memory_space<vmem>> -> memref<1x128xi32, #tpu.memory_space<vmem>>
      %dma_wait3A_126 = tpu.memref_squeeze %dma_wait3A_125 : memref<1x128xi32, #tpu.memory_space<vmem>> -> memref<128xi32, #tpu.memory_space<vmem>>
      %dma_wait3A_127 = tpu.memref_slice %arg2[%add3A_12] : memref<16384xi32, #tpu.memory_space<hbm>> -> memref<128xi32, #tpu.memory_space<hbm>>
      %dma_wait3A_128 = arith.constant 0 : i32
      %dma_wait3A_129 = tpu.memref_slice %arg5[%run_scoped3A_13, %dma_wait3A_128] : memref<4x128xi32, #tpu.memory_space<vmem>> -> memref<1x128xi32, #tpu.memory_space<vmem>>
      %dma_wait3A_130 = tpu.memref_squeeze %dma_wait3A_129 : memref<1x128xi32, #tpu.memory_space<vmem>> -> memref<128xi32, #tpu.memory_space<vmem>>
      %dma_wait3A_131 = tpu.memref_slice %arg2[%add3A_12] : memref<16384xi32, #tpu.memory_space<hbm>> -> memref<128xi32, #tpu.memory_space<hbm>>
      tpu.wait_dma2 semaphore(%run_scoped3A_115 : memref<!tpu.dma_semaphore, #tpu.memory_space<semaphore_mem>>) src(%dma_wait3A_131 : memref<128xi32, #tpu.memory_space<hbm>>) dst(%dma_wait3A_130 : memref<128xi32, #tpu.memory_space<vmem>>)
      tpu.yield
    }) : () -> ()
    %dma_start3A = arith.constant 0 : i32
    %dma_start3A_14 = arith.constant 0 : i32
    %dma_start3A_15 = arith.constant 0 : i32
    %dma_start3A_16 = tpu.memref_slice %arg6[%dma_start3A_14, %dma_start3A_15] : memref<512x128xf32, #tpu.memory_space<vmem>> -> memref<128x128xf32, #tpu.memory_space<vmem>>
    %dma_start3A_17 = arith.constant 0 : i32
    %dma_start3A_18 = tpu.memref_slice %arg5[%dma_start3A, %dma_start3A_17] : memref<4x128xi32, #tpu.memory_space<vmem>> -> memref<1x128xi32, #tpu.memory_space<vmem>>
    %dma_start3A_19 = tpu.memref_squeeze %dma_start3A_18 : memref<1x128xi32, #tpu.memory_space<vmem>> -> memref<128xi32, #tpu.memory_space<vmem>>
    %dma_start3A_20 = arith.constant 0 : i32
    %dma_start3A_21 = arith.constant 0 : i32
    %dma_start3A_22 = tpu.memref_slice %arg3[%dma_start3A_20, %dma_start3A_21] : memref<100000x128xf32, #tpu.memory_space<hbm>> -> memref<100000x128xf32, #tpu.memory_space<hbm>>
    tpu.enqueue_indirect_dma source(%dma_start3A_22 : memref<100000x128xf32, #tpu.memory_space<hbm>>) target(%dma_start3A_16 : memref<128x128xf32, #tpu.memory_space<vmem>>) offsets(%dma_start3A_19 : memref<128xi32, #tpu.memory_space<vmem>>) semaphore(%arg7 : memref<!tpu.dma_semaphore, #tpu.memory_space<semaphore_mem>>)
    %dma_start3A_23 = arith.constant 1 : i32
    %dma_start3A_24 = arith.constant 128 : i32
    %dma_start3A_25 = arith.constant 0 : i32
    %dma_start3A_26 = tpu.memref_slice %arg6[%dma_start3A_24, %dma_start3A_25] : memref<512x128xf32, #tpu.memory_space<vmem>> -> memref<128x128xf32, #tpu.memory_space<vmem>>
    %dma_start3A_27 = arith.constant 0 : i32
    %dma_start3A_28 = tpu.memref_slice %arg5[%dma_start3A_23, %dma_start3A_27] : memref<4x128xi32, #tpu.memory_space<vmem>> -> memref<1x128xi32, #tpu.memory_space<vmem>>
    %dma_start3A_29 = tpu.memref_squeeze %dma_start3A_28 : memref<1x128xi32, #tpu.memory_space<vmem>> -> memref<128xi32, #tpu.memory_space<vmem>>
    %dma_start3A_30 = arith.constant 0 : i32
    %dma_start3A_31 = arith.constant 0 : i32
    %dma_start3A_32 = tpu.memref_slice %arg3[%dma_start3A_30, %dma_start3A_31] : memref<100000x128xf32, #tpu.memory_space<hbm>> -> memref<100000x128xf32, #tpu.memory_space<hbm>>
    tpu.enqueue_indirect_dma source(%dma_start3A_32 : memref<100000x128xf32, #tpu.memory_space<hbm>>) target(%dma_start3A_26 : memref<128x128xf32, #tpu.memory_space<vmem>>) offsets(%dma_start3A_29 : memref<128xi32, #tpu.memory_space<vmem>>) semaphore(%arg7 : memref<!tpu.dma_semaphore, #tpu.memory_space<semaphore_mem>>)
    %dma_start3A_33 = arith.constant 2 : i32
    %dma_start3A_34 = arith.constant 256 : i32
    %dma_start3A_35 = arith.constant 0 : i32
    %dma_start3A_36 = tpu.memref_slice %arg6[%dma_start3A_34, %dma_start3A_35] : memref<512x128xf32, #tpu.memory_space<vmem>> -> memref<128x128xf32, #tpu.memory_space<vmem>>
    %dma_start3A_37 = arith.constant 0 : i32
    %dma_start3A_38 = tpu.memref_slice %arg5[%dma_start3A_33, %dma_start3A_37] : memref<4x128xi32, #tpu.memory_space<vmem>> -> memref<1x128xi32, #tpu.memory_space<vmem>>
    %dma_start3A_39 = tpu.memref_squeeze %dma_start3A_38 : memref<1x128xi32, #tpu.memory_space<vmem>> -> memref<128xi32, #tpu.memory_space<vmem>>
    %dma_start3A_40 = arith.constant 0 : i32
    %dma_start3A_41 = arith.constant 0 : i32
    %dma_start3A_42 = tpu.memref_slice %arg3[%dma_start3A_40, %dma_start3A_41] : memref<100000x128xf32, #tpu.memory_space<hbm>> -> memref<100000x128xf32, #tpu.memory_space<hbm>>
    tpu.enqueue_indirect_dma source(%dma_start3A_42 : memref<100000x128xf32, #tpu.memory_space<hbm>>) target(%dma_start3A_36 : memref<128x128xf32, #tpu.memory_space<vmem>>) offsets(%dma_start3A_39 : memref<128xi32, #tpu.memory_space<vmem>>) semaphore(%arg7 : memref<!tpu.dma_semaphore, #tpu.memory_space<semaphore_mem>>)
    %dma_start3A_43 = arith.constant 3 : i32
    %dma_start3A_44 = arith.constant 384 : i32
    %dma_start3A_45 = arith.constant 0 : i32
    %dma_start3A_46 = tpu.memref_slice %arg6[%dma_start3A_44, %dma_start3A_45] : memref<512x128xf32, #tpu.memory_space<vmem>> -> memref<128x128xf32, #tpu.memory_space<vmem>>
    %dma_start3A_47 = arith.constant 0 : i32
    %dma_start3A_48 = tpu.memref_slice %arg5[%dma_start3A_43, %dma_start3A_47] : memref<4x128xi32, #tpu.memory_space<vmem>> -> memref<1x128xi32, #tpu.memory_space<vmem>>
    %dma_start3A_49 = tpu.memref_squeeze %dma_start3A_48 : memref<1x128xi32, #tpu.memory_space<vmem>> -> memref<128xi32, #tpu.memory_space<vmem>>
    %dma_start3A_50 = arith.constant 0 : i32
    %dma_start3A_51 = arith.constant 0 : i32
    %dma_start3A_52 = tpu.memref_slice %arg3[%dma_start3A_50, %dma_start3A_51] : memref<100000x128xf32, #tpu.memory_space<hbm>> -> memref<100000x128xf32, #tpu.memory_space<hbm>>
    tpu.enqueue_indirect_dma source(%dma_start3A_52 : memref<100000x128xf32, #tpu.memory_space<hbm>>) target(%dma_start3A_46 : memref<128x128xf32, #tpu.memory_space<vmem>>) offsets(%dma_start3A_49 : memref<128xi32, #tpu.memory_space<vmem>>) semaphore(%arg7 : memref<!tpu.dma_semaphore, #tpu.memory_space<semaphore_mem>>)
    %dma_wait3A = arith.constant 0 : i32
    %dma_wait3A_53 = arith.constant 0 : i32
    %dma_wait3A_54 = arith.constant 0 : i32
    %dma_wait3A_55 = tpu.memref_slice %arg6[%dma_wait3A_53, %dma_wait3A_54] : memref<512x128xf32, #tpu.memory_space<vmem>> -> memref<128x128xf32, #tpu.memory_space<vmem>>
    %dma_wait3A_56 = arith.constant 0 : i32
    %dma_wait3A_57 = tpu.memref_slice %arg5[%dma_wait3A, %dma_wait3A_56] : memref<4x128xi32, #tpu.memory_space<vmem>> -> memref<1x128xi32, #tpu.memory_space<vmem>>
    %dma_wait3A_58 = tpu.memref_squeeze %dma_wait3A_57 : memref<1x128xi32, #tpu.memory_space<vmem>> -> memref<128xi32, #tpu.memory_space<vmem>>
    %dma_wait3A_59 = arith.constant 0 : i32
    %dma_wait3A_60 = arith.constant 0 : i32
    %dma_wait3A_61 = tpu.memref_slice %arg3[%dma_wait3A_59, %dma_wait3A_60] : memref<100000x128xf32, #tpu.memory_space<hbm>> -> memref<100000x128xf32, #tpu.memory_space<hbm>>
    tpu.wait_indirect_dma semaphore(%arg7 : memref<!tpu.dma_semaphore, #tpu.memory_space<semaphore_mem>>) src(%dma_wait3A_61 : memref<100000x128xf32, #tpu.memory_space<hbm>>) dst(%dma_wait3A_55 : memref<128x128xf32, #tpu.memory_space<vmem>>)
    %scan3A = arith.constant 0 : i32
    %scan3A_62 = arith.constant 0 : i32
    %scan3A_63 = arith.constant 128 : i32
    %scan3A_64 = arith.addi %scan3A_62, %scan3A_63 : i32
    %scan3A_65 = arith.constant 1 : i32
    scf.for %scan3A_115 = %scan3A_62 to %scan3A_64 step %scan3A_65  : i32 {
      %add3A_116 = arith.constant 0 : i32
      %add3A_117 = arith.addi %add3A_116, %scan3A_115 : i32
      %get3A = arith.index_cast %add3A_117 : i32 to index
      %get3A_118 = arith.constant 0 : index
      %get3A_119 = tpu.vector_load %arg6[%get3A, %get3A_118] {strides = array<i32>} : memref<512x128xf32, #tpu.memory_space<vmem>>, vector<1x16xf32>,
      %get3A_120 = vector.shape_cast %get3A_119 : vector<1x16xf32> to vector<16xf32>
      %mul3A_121 = arith.constant 2.500000e-01 : f32
      %mul3A_122 = vector.broadcast %mul3A_121 : f32 to vector<16xf32>
      %mul3A_123 = arith.mulf %get3A_120, %mul3A_122 : vector<16xf32>
      %add3A_124 = arith.constant 0 : i32
      %add3A_125 = arith.addi %add3A_124, %scan3A_115 : i32
      %swap3A = arith.index_cast %add3A_125 : i32 to index
      %swap3A_126 = arith.constant 0 : index
      %swap3A_127 = tpu.vector_load %arg6[%swap3A, %swap3A_126] {strides = array<i32>} : memref<512x128xf32, #tpu.memory_space<vmem>>, vector<1x16xf32>,
      %swap3A_128 = vector.shape_cast %swap3A_127 : vector<1x16xf32> to vector<16xf32>
      %swap3A_129 = vector.shape_cast %mul3A_123 : vector<16xf32> to vector<1x16xf32>
      tpu.vector_store %arg6[%swap3A, %swap3A_126], %swap3A_129 {strides = array<i32>} : memref<512x128xf32, #tpu.memory_space<vmem>>, vector<1x16xf32>,
      %add3A_130 = arith.constant 0 : i32
      %add3A_131 = arith.addi %add3A_130, %scan3A_115 : i32
      %get3A_132 = arith.index_cast %add3A_131 : i32 to index
      %get3A_133 = arith.constant 16 : index
      %get3A_134 = tpu.vector_load %arg6[%get3A_132, %get3A_133] {strides = array<i32>} : memref<512x128xf32, #tpu.memory_space<vmem>>, vector<1x16xf32>,
      %get3A_135 = vector.shape_cast %get3A_134 : vector<1x16xf32> to vector<16xf32>
      %mul3A_136 = arith.constant 2.500000e-01 : f32
      %mul3A_137 = vector.broadcast %mul3A_136 : f32 to vector<16xf32>
      %mul3A_138 = arith.mulf %get3A_135, %mul3A_137 : vector<16xf32>
      %add3A_139 = arith.constant 0 : i32
      %add3A_140 = arith.addi %add3A_139, %scan3A_115 : i32
      %swap3A_141 = arith.index_cast %add3A_140 : i32 to index
      %swap3A_142 = arith.constant 16 : index
      %swap3A_143 = tpu.vector_load %arg6[%swap3A_141, %swap3A_142] {strides = array<i32>} : memref<512x128xf32, #tpu.memory_space<vmem>>, vector<1x16xf32>,
      %swap3A_144 = vector.shape_cast %swap3A_143 : vector<1x16xf32> to vector<16xf32>
      %swap3A_145 = vector.shape_cast %mul3A_138 : vector<16xf32> to vector<1x16xf32>
      tpu.vector_store %arg6[%swap3A_141, %swap3A_142], %swap3A_145 {strides = array<i32>} : memref<512x128xf32, #tpu.memory_space<vmem>>, vector<1x16xf32>,
      %add3A_146 = arith.constant 0 : i32
      %add3A_147 = arith.addi %add3A_146, %scan3A_115 : i32
      %get3A_148 = arith.index_cast %add3A_147 : i32 to index
      %get3A_149 = arith.constant 32 : index
      %get3A_150 = tpu.vector_load %arg6[%get3A_148, %get3A_149] {strides = array<i32>} : memref<512x128xf32, #tpu.memory_space<vmem>>, vector<1x16xf32>,
      %get3A_151 = vector.shape_cast %get3A_150 : vector<1x16xf32> to vector<16xf32>
      %mul3A_152 = arith.constant 2.500000e-01 : f32
      %mul3A_153 = vector.broadcast %mul3A_152 : f32 to vector<16xf32>
      %mul3A_154 = arith.mulf %get3A_151, %mul3A_153 : vector<16xf32>
      %add3A_155 = arith.constant 0 : i32
      %add3A_156 = arith.addi %add3A_155, %scan3A_115 : i32
      %swap3A_157 = arith.index_cast %add3A_156 : i32 to index
      %swap3A_158 = arith.constant 32 : index
      %swap3A_159 = tpu.vector_load %arg6[%swap3A_157, %swap3A_158] {strides = array<i32>} : memref<512x128xf32, #tpu.memory_space<vmem>>, vector<1x16xf32>,
      %swap3A_160 = vector.shape_cast %swap3A_159 : vector<1x16xf32> to vector<16xf32>
      %swap3A_161 = vector.shape_cast %mul3A_154 : vector<16xf32> to vector<1x16xf32>
      tpu.vector_store %arg6[%swap3A_157, %swap3A_158], %swap3A_161 {strides = array<i32>} : memref<512x128xf32, #tpu.memory_space<vmem>>, vector<1x16xf32>,
      %add3A_162 = arith.constant 0 : i32
      %add3A_163 = arith.addi %add3A_162, %scan3A_115 : i32
      %get3A_164 = arith.index_cast %add3A_163 : i32 to index
      %get3A_165 = arith.constant 48 : index
      %get3A_166 = tpu.vector_load %arg6[%get3A_164, %get3A_165] {strides = array<i32>} : memref<512x128xf32, #tpu.memory_space<vmem>>, vector<1x16xf32>,
      %get3A_167 = vector.shape_cast %get3A_166 : vector<1x16xf32> to vector<16xf32>
      %mul3A_168 = arith.constant 2.500000e-01 : f32
      %mul3A_169 = vector.broadcast %mul3A_168 : f32 to vector<16xf32>
      %mul3A_170 = arith.mulf %get3A_167, %mul3A_169 : vector<16xf32>
      %add3A_171 = arith.constant 0 : i32
      %add3A_172 = arith.addi %add3A_171, %scan3A_115 : i32
      %swap3A_173 = arith.index_cast %add3A_172 : i32 to index
      %swap3A_174 = arith.constant 48 : index
      %swap3A_175 = tpu.vector_load %arg6[%swap3A_173, %swap3A_174] {strides = array<i32>} : memref<512x128xf32, #tpu.memory_space<vmem>>, vector<1x16xf32>,
      %swap3A_176 = vector.shape_cast %swap3A_175 : vector<1x16xf32> to vector<16xf32>
      %swap3A_177 = vector.shape_cast %mul3A_170 : vector<16xf32> to vector<1x16xf32>
      tpu.vector_store %arg6[%swap3A_173, %swap3A_174], %swap3A_177 {strides = array<i32>} : memref<512x128xf32, #tpu.memory_space<vmem>>, vector<1x16xf32>,
    }
    %scan3A_66 = arith.constant 128 : i32
    %dma_wait3A_67 = arith.constant 1 : i32
    %dma_wait3A_68 = arith.constant 128 : i32
    %dma_wait3A_69 = arith.constant 0 : i32
    %dma_wait3A_70 = tpu.memref_slice %arg6[%dma_wait3A_68, %dma_wait3A_69] : memref<512x128xf32, #tpu.memory_space<vmem>> -> memref<128x128xf32, #tpu.memory_space<vmem>>
    %dma_wait3A_71 = arith.constant 0 : i32
    %dma_wait3A_72 = tpu.memref_slice %arg5[%dma_wait3A_67, %dma_wait3A_71] : memref<4x128xi32, #tpu.memory_space<vmem>> -> memref<1x128xi32, #tpu.memory_space<vmem>>
    %dma_wait3A_73 = tpu.memref_squeeze %dma_wait3A_72 : memref<1x128xi32, #tpu.memory_space<vmem>> -> memref<128xi32, #tpu.memory_space<vmem>>
    %dma_wait3A_74 = arith.constant 0 : i32
    %dma_wait3A_75 = arith.constant 0 : i32
    %dma_wait3A_76 = tpu.memref_slice %arg3[%dma_wait3A_74, %dma_wait3A_75] : memref<100000x128xf32, #tpu.memory_space<hbm>> -> memref<100000x128xf32, #tpu.memory_space<hbm>>
    tpu.wait_indirect_dma semaphore(%arg7 : memref<!tpu.dma_semaphore, #tpu.memory_space<semaphore_mem>>) src(%dma_wait3A_76 : memref<100000x128xf32, #tpu.memory_space<hbm>>) dst(%dma_wait3A_70 : memref<128x128xf32, #tpu.memory_space<vmem>>)
    %scan3A_77 = arith.constant 0 : i32
    %scan3A_78 = arith.constant 0 : i32
    %scan3A_79 = arith.constant 128 : i32
    %scan3A_80 = arith.addi %scan3A_78, %scan3A_79 : i32
    %scan3A_81 = arith.constant 1 : i32
    scf.for %scan3A_115 = %scan3A_78 to %scan3A_80 step %scan3A_81  : i32 {
      %add3A_116 = arith.constant 128 : i32
      %add3A_117 = arith.addi %add3A_116, %scan3A_115 : i32
      %get3A = arith.index_cast %add3A_117 : i32 to index
      %get3A_118 = arith.constant 0 : index
      %get3A_119 = tpu.vector_load %arg6[%get3A, %get3A_118] {strides = array<i32>} : memref<512x128xf32, #tpu.memory_space<vmem>>, vector<1x16xf32>,
      %get3A_120 = vector.shape_cast %get3A_119 : vector<1x16xf32> to vector<16xf32>
      %mul3A_121 = arith.constant 2.500000e-01 : f32
      %mul3A_122 = vector.broadcast %mul3A_121 : f32 to vector<16xf32>
      %mul3A_123 = arith.mulf %get3A_120, %mul3A_122 : vector<16xf32>
      %add3A_124 = arith.constant 128 : i32
      %add3A_125 = arith.addi %add3A_124, %scan3A_115 : i32
      %swap3A = arith.index_cast %add3A_125 : i32 to index
      %swap3A_126 = arith.constant 0 : index
      %swap3A_127 = tpu.vector_load %arg6[%swap3A, %swap3A_126] {strides = array<i32>} : memref<512x128xf32, #tpu.memory_space<vmem>>, vector<1x16xf32>,
      %swap3A_128 = vector.shape_cast %swap3A_127 : vector<1x16xf32> to vector<16xf32>
      %swap3A_129 = vector.shape_cast %mul3A_123 : vector<16xf32> to vector<1x16xf32>
      tpu.vector_store %arg6[%swap3A, %swap3A_126], %swap3A_129 {strides = array<i32>} : memref<512x128xf32, #tpu.memory_space<vmem>>, vector<1x16xf32>,
      %add3A_130 = arith.constant 128 : i32
      %add3A_131 = arith.addi %add3A_130, %scan3A_115 : i32
      %get3A_132 = arith.index_cast %add3A_131 : i32 to index
      %get3A_133 = arith.constant 16 : index
      %get3A_134 = tpu.vector_load %arg6[%get3A_132, %get3A_133] {strides = array<i32>} : memref<512x128xf32, #tpu.memory_space<vmem>>, vector<1x16xf32>,
      %get3A_135 = vector.shape_cast %get3A_134 : vector<1x16xf32> to vector<16xf32>
      %mul3A_136 = arith.constant 2.500000e-01 : f32
      %mul3A_137 = vector.broadcast %mul3A_136 : f32 to vector<16xf32>
      %mul3A_138 = arith.mulf %get3A_135, %mul3A_137 : vector<16xf32>
      %add3A_139 = arith.constant 128 : i32
      %add3A_140 = arith.addi %add3A_139, %scan3A_115 : i32
      %swap3A_141 = arith.index_cast %add3A_140 : i32 to index
      %swap3A_142 = arith.constant 16 : index
      %swap3A_143 = tpu.vector_load %arg6[%swap3A_141, %swap3A_142] {strides = array<i32>} : memref<512x128xf32, #tpu.memory_space<vmem>>, vector<1x16xf32>,
      %swap3A_144 = vector.shape_cast %swap3A_143 : vector<1x16xf32> to vector<16xf32>
      %swap3A_145 = vector.shape_cast %mul3A_138 : vector<16xf32> to vector<1x16xf32>
      tpu.vector_store %arg6[%swap3A_141, %swap3A_142], %swap3A_145 {strides = array<i32>} : memref<512x128xf32, #tpu.memory_space<vmem>>, vector<1x16xf32>,
      %add3A_146 = arith.constant 128 : i32
      %add3A_147 = arith.addi %add3A_146, %scan3A_115 : i32
      %get3A_148 = arith.index_cast %add3A_147 : i32 to index
      %get3A_149 = arith.constant 32 : index
      %get3A_150 = tpu.vector_load %arg6[%get3A_148, %get3A_149] {strides = array<i32>} : memref<512x128xf32, #tpu.memory_space<vmem>>, vector<1x16xf32>,
      %get3A_151 = vector.shape_cast %get3A_150 : vector<1x16xf32> to vector<16xf32>
      %mul3A_152 = arith.constant 2.500000e-01 : f32
      %mul3A_153 = vector.broadcast %mul3A_152 : f32 to vector<16xf32>
      %mul3A_154 = arith.mulf %get3A_151, %mul3A_153 : vector<16xf32>
      %add3A_155 = arith.constant 128 : i32
      %add3A_156 = arith.addi %add3A_155, %scan3A_115 : i32
      %swap3A_157 = arith.index_cast %add3A_156 : i32 to index
      %swap3A_158 = arith.constant 32 : index
      %swap3A_159 = tpu.vector_load %arg6[%swap3A_157, %swap3A_158] {strides = array<i32>} : memref<512x128xf32, #tpu.memory_space<vmem>>, vector<1x16xf32>,
      %swap3A_160 = vector.shape_cast %swap3A_159 : vector<1x16xf32> to vector<16xf32>
      %swap3A_161 = vector.shape_cast %mul3A_154 : vector<16xf32> to vector<1x16xf32>
      tpu.vector_store %arg6[%swap3A_157, %swap3A_158], %swap3A_161 {strides = array<i32>} : memref<512x128xf32, #tpu.memory_space<vmem>>, vector<1x16xf32>,
      %add3A_162 = arith.constant 128 : i32
      %add3A_163 = arith.addi %add3A_162, %scan3A_115 : i32
      %get3A_164 = arith.index_cast %add3A_163 : i32 to index
      %get3A_165 = arith.constant 48 : index
      %get3A_166 = tpu.vector_load %arg6[%get3A_164, %get3A_165] {strides = array<i32>} : memref<512x128xf32, #tpu.memory_space<vmem>>, vector<1x16xf32>,
      %get3A_167 = vector.shape_cast %get3A_166 : vector<1x16xf32> to vector<16xf32>
      %mul3A_168 = arith.constant 2.500000e-01 : f32
      %mul3A_169 = vector.broadcast %mul3A_168 : f32 to vector<16xf32>
      %mul3A_170 = arith.mulf %get3A_167, %mul3A_169 : vector<16xf32>
      %add3A_171 = arith.constant 128 : i32
      %add3A_172 = arith.addi %add3A_171, %scan3A_115 : i32
      %swap3A_173 = arith.index_cast %add3A_172 : i32 to index
      %swap3A_174 = arith.constant 48 : index
      %swap3A_175 = tpu.vector_load %arg6[%swap3A_173, %swap3A_174] {strides = array<i32>} : memref<512x128xf32, #tpu.memory_space<vmem>>, vector<1x16xf32>,
      %swap3A_176 = vector.shape_cast %swap3A_175 : vector<1x16xf32> to vector<16xf32>
      %swap3A_177 = vector.shape_cast %mul3A_170 : vector<16xf32> to vector<1x16xf32>
      tpu.vector_store %arg6[%swap3A_173, %swap3A_174], %swap3A_177 {strides = array<i32>} : memref<512x128xf32, #tpu.memory_space<vmem>>, vector<1x16xf32>,
    }
    %scan3A_82 = arith.constant 128 : i32
    %dma_wait3A_83 = arith.constant 2 : i32
    %dma_wait3A_84 = arith.constant 256 : i32
    %dma_wait3A_85 = arith.constant 0 : i32
    %dma_wait3A_86 = tpu.memref_slice %arg6[%dma_wait3A_84, %dma_wait3A_85] : memref<512x128xf32, #tpu.memory_space<vmem>> -> memref<128x128xf32, #tpu.memory_space<vmem>>
    %dma_wait3A_87 = arith.constant 0 : i32
    %dma_wait3A_88 = tpu.memref_slice %arg5[%dma_wait3A_83, %dma_wait3A_87] : memref<4x128xi32, #tpu.memory_space<vmem>> -> memref<1x128xi32, #tpu.memory_space<vmem>>
    %dma_wait3A_89 = tpu.memref_squeeze %dma_wait3A_88 : memref<1x128xi32, #tpu.memory_space<vmem>> -> memref<128xi32, #tpu.memory_space<vmem>>
    %dma_wait3A_90 = arith.constant 0 : i32
    %dma_wait3A_91 = arith.constant 0 : i32
    %dma_wait3A_92 = tpu.memref_slice %arg3[%dma_wait3A_90, %dma_wait3A_91] : memref<100000x128xf32, #tpu.memory_space<hbm>> -> memref<100000x128xf32, #tpu.memory_space<hbm>>
    tpu.wait_indirect_dma semaphore(%arg7 : memref<!tpu.dma_semaphore, #tpu.memory_space<semaphore_mem>>) src(%dma_wait3A_92 : memref<100000x128xf32, #tpu.memory_space<hbm>>) dst(%dma_wait3A_86 : memref<128x128xf32, #tpu.memory_space<vmem>>)
    %scan3A_93 = arith.constant 0 : i32
    %scan3A_94 = arith.constant 0 : i32
    %scan3A_95 = arith.constant 128 : i32
    %scan3A_96 = arith.addi %scan3A_94, %scan3A_95 : i32
    %scan3A_97 = arith.constant 1 : i32
    scf.for %scan3A_115 = %scan3A_94 to %scan3A_96 step %scan3A_97  : i32 {
      %add3A_116 = arith.constant 256 : i32
      %add3A_117 = arith.addi %add3A_116, %scan3A_115 : i32
      %get3A = arith.index_cast %add3A_117 : i32 to index
      %get3A_118 = arith.constant 0 : index
      %get3A_119 = tpu.vector_load %arg6[%get3A, %get3A_118] {strides = array<i32>} : memref<512x128xf32, #tpu.memory_space<vmem>>, vector<1x16xf32>,
      %get3A_120 = vector.shape_cast %get3A_119 : vector<1x16xf32> to vector<16xf32>
      %mul3A_121 = arith.constant 2.500000e-01 : f32
      %mul3A_122 = vector.broadcast %mul3A_121 : f32 to vector<16xf32>
      %mul3A_123 = arith.mulf %get3A_120, %mul3A_122 : vector<16xf32>
      %add3A_124 = arith.constant 256 : i32
      %add3A_125 = arith.addi %add3A_124, %scan3A_115 : i32
      %swap3A = arith.index_cast %add3A_125 : i32 to index
      %swap3A_126 = arith.constant 0 : index
      %swap3A_127 = tpu.vector_load %arg6[%swap3A, %swap3A_126] {strides = array<i32>} : memref<512x128xf32, #tpu.memory_space<vmem>>, vector<1x16xf32>,
      %swap3A_128 = vector.shape_cast %swap3A_127 : vector<1x16xf32> to vector<16xf32>
      %swap3A_129 = vector.shape_cast %mul3A_123 : vector<16xf32> to vector<1x16xf32>
      tpu.vector_store %arg6[%swap3A, %swap3A_126], %swap3A_129 {strides = array<i32>} : memref<512x128xf32, #tpu.memory_space<vmem>>, vector<1x16xf32>,
      %add3A_130 = arith.constant 256 : i32
      %add3A_131 = arith.addi %add3A_130, %scan3A_115 : i32
      %get3A_132 = arith.index_cast %add3A_131 : i32 to index
      %get3A_133 = arith.constant 16 : index
      %get3A_134 = tpu.vector_load %arg6[%get3A_132, %get3A_133] {strides = array<i32>} : memref<512x128xf32, #tpu.memory_space<vmem>>, vector<1x16xf32>,
      %get3A_135 = vector.shape_cast %get3A_134 : vector<1x16xf32> to vector<16xf32>
      %mul3A_136 = arith.constant 2.500000e-01 : f32
      %mul3A_137 = vector.broadcast %mul3A_136 : f32 to vector<16xf32>
      %mul3A_138 = arith.mulf %get3A_135, %mul3A_137 : vector<16xf32>
      %add3A_139 = arith.constant 256 : i32
      %add3A_140 = arith.addi %add3A_139, %scan3A_115 : i32
      %swap3A_141 = arith.index_cast %add3A_140 : i32 to index
      %swap3A_142 = arith.constant 16 : index
      %swap3A_143 = tpu.vector_load %arg6[%swap3A_141, %swap3A_142] {strides = array<i32>} : memref<512x128xf32, #tpu.memory_space<vmem>>, vector<1x16xf32>,
      %swap3A_144 = vector.shape_cast %swap3A_143 : vector<1x16xf32> to vector<16xf32>
      %swap3A_145 = vector.shape_cast %mul3A_138 : vector<16xf32> to vector<1x16xf32>
      tpu.vector_store %arg6[%swap3A_141, %swap3A_142], %swap3A_145 {strides = array<i32>} : memref<512x128xf32, #tpu.memory_space<vmem>>, vector<1x16xf32>,
      %add3A_146 = arith.constant 256 : i32
      %add3A_147 = arith.addi %add3A_146, %scan3A_115 : i32
      %get3A_148 = arith.index_cast %add3A_147 : i32 to index
      %get3A_149 = arith.constant 32 : index
      %get3A_150 = tpu.vector_load %arg6[%get3A_148, %get3A_149] {strides = array<i32>} : memref<512x128xf32, #tpu.memory_space<vmem>>, vector<1x16xf32>,
      %get3A_151 = vector.shape_cast %get3A_150 : vector<1x16xf32> to vector<16xf32>
      %mul3A_152 = arith.constant 2.500000e-01 : f32
      %mul3A_153 = vector.broadcast %mul3A_152 : f32 to vector<16xf32>
      %mul3A_154 = arith.mulf %get3A_151, %mul3A_153 : vector<16xf32>
      %add3A_155 = arith.constant 256 : i32
      %add3A_156 = arith.addi %add3A_155, %scan3A_115 : i32
      %swap3A_157 = arith.index_cast %add3A_156 : i32 to index
      %swap3A_158 = arith.constant 32 : index
      %swap3A_159 = tpu.vector_load %arg6[%swap3A_157, %swap3A_158] {strides = array<i32>} : memref<512x128xf32, #tpu.memory_space<vmem>>, vector<1x16xf32>,
      %swap3A_160 = vector.shape_cast %swap3A_159 : vector<1x16xf32> to vector<16xf32>
      %swap3A_161 = vector.shape_cast %mul3A_154 : vector<16xf32> to vector<1x16xf32>
      tpu.vector_store %arg6[%swap3A_157, %swap3A_158], %swap3A_161 {strides = array<i32>} : memref<512x128xf32, #tpu.memory_space<vmem>>, vector<1x16xf32>,
      %add3A_162 = arith.constant 256 : i32
      %add3A_163 = arith.addi %add3A_162, %scan3A_115 : i32
      %get3A_164 = arith.index_cast %add3A_163 : i32 to index
      %get3A_165 = arith.constant 48 : index
      %get3A_166 = tpu.vector_load %arg6[%get3A_164, %get3A_165] {strides = array<i32>} : memref<512x128xf32, #tpu.memory_space<vmem>>, vector<1x16xf32>,
      %get3A_167 = vector.shape_cast %get3A_166 : vector<1x16xf32> to vector<16xf32>
      %mul3A_168 = arith.constant 2.500000e-01 : f32
      %mul3A_169 = vector.broadcast %mul3A_168 : f32 to vector<16xf32>
      %mul3A_170 = arith.mulf %get3A_167, %mul3A_169 : vector<16xf32>
      %add3A_171 = arith.constant 256 : i32
      %add3A_172 = arith.addi %add3A_171, %scan3A_115 : i32
      %swap3A_173 = arith.index_cast %add3A_172 : i32 to index
      %swap3A_174 = arith.constant 48 : index
      %swap3A_175 = tpu.vector_load %arg6[%swap3A_173, %swap3A_174] {strides = array<i32>} : memref<512x128xf32, #tpu.memory_space<vmem>>, vector<1x16xf32>,
      %swap3A_176 = vector.shape_cast %swap3A_175 : vector<1x16xf32> to vector<16xf32>
      %swap3A_177 = vector.shape_cast %mul3A_170 : vector<16xf32> to vector<1x16xf32>
      tpu.vector_store %arg6[%swap3A_173, %swap3A_174], %swap3A_177 {strides = array<i32>} : memref<512x128xf32, #tpu.memory_space<vmem>>, vector<1x16xf32>,
    }
    %scan3A_98 = arith.constant 128 : i32
    %dma_wait3A_99 = arith.constant 3 : i32
    %dma_wait3A_100 = arith.constant 384 : i32
    %dma_wait3A_101 = arith.constant 0 : i32
    %dma_wait3A_102 = tpu.memref_slice %arg6[%dma_wait3A_100, %dma_wait3A_101] : memref<512x128xf32, #tpu.memory_space<vmem>> -> memref<128x128xf32, #tpu.memory_space<vmem>>
    %dma_wait3A_103 = arith.constant 0 : i32
    %dma_wait3A_104 = tpu.memref_slice %arg5[%dma_wait3A_99, %dma_wait3A_103] : memref<4x128xi32, #tpu.memory_space<vmem>> -> memref<1x128xi32, #tpu.memory_space<vmem>>
    %dma_wait3A_105 = tpu.memref_squeeze %dma_wait3A_104 : memref<1x128xi32, #tpu.memory_space<vmem>> -> memref<128xi32, #tpu.memory_space<vmem>>
    %dma_wait3A_106 = arith.constant 0 : i32
    %dma_wait3A_107 = arith.constant 0 : i32
    %dma_wait3A_108 = tpu.memref_slice %arg3[%dma_wait3A_106, %dma_wait3A_107] : memref<100000x128xf32, #tpu.memory_space<hbm>> -> memref<100000x128xf32, #tpu.memory_space<hbm>>
    tpu.wait_indirect_dma semaphore(%arg7 : memref<!tpu.dma_semaphore, #tpu.memory_space<semaphore_mem>>) src(%dma_wait3A_108 : memref<100000x128xf32, #tpu.memory_space<hbm>>) dst(%dma_wait3A_102 : memref<128x128xf32, #tpu.memory_space<vmem>>)
    %scan3A_109 = arith.constant 0 : i32
    %scan3A_110 = arith.constant 0 : i32
    %scan3A_111 = arith.constant 128 : i32
    %scan3A_112 = arith.addi %scan3A_110, %scan3A_111 : i32
    %scan3A_113 = arith.constant 1 : i32
    scf.for %scan3A_115 = %scan3A_110 to %scan3A_112 step %scan3A_113  : i32 {
      %add3A_116 = arith.constant 384 : i32
      %add3A_117 = arith.addi %add3A_116, %scan3A_115 : i32
      %get3A = arith.index_cast %add3A_117 : i32 to index
      %get3A_118 = arith.constant 0 : index
      %get3A_119 = tpu.vector_load %arg6[%get3A, %get3A_118] {strides = array<i32>} : memref<512x128xf32, #tpu.memory_space<vmem>>, vector<1x16xf32>,
      %get3A_120 = vector.shape_cast %get3A_119 : vector<1x16xf32> to vector<16xf32>
      %mul3A_121 = arith.constant 2.500000e-01 : f32
      %mul3A_122 = vector.broadcast %mul3A_121 : f32 to vector<16xf32>
      %mul3A_123 = arith.mulf %get3A_120, %mul3A_122 : vector<16xf32>
      %add3A_124 = arith.constant 384 : i32
      %add3A_125 = arith.addi %add3A_124, %scan3A_115 : i32
      %swap3A = arith.index_cast %add3A_125 : i32 to index
      %swap3A_126 = arith.constant 0 : index
      %swap3A_127 = tpu.vector_load %arg6[%swap3A, %swap3A_126] {strides = array<i32>} : memref<512x128xf32, #tpu.memory_space<vmem>>, vector<1x16xf32>,
      %swap3A_128 = vector.shape_cast %swap3A_127 : vector<1x16xf32> to vector<16xf32>
      %swap3A_129 = vector.shape_cast %mul3A_123 : vector<16xf32> to vector<1x16xf32>
      tpu.vector_store %arg6[%swap3A, %swap3A_126], %swap3A_129 {strides = array<i32>} : memref<512x128xf32, #tpu.memory_space<vmem>>, vector<1x16xf32>,
      %add3A_130 = arith.constant 384 : i32
      %add3A_131 = arith.addi %add3A_130, %scan3A_115 : i32
      %get3A_132 = arith.index_cast %add3A_131 : i32 to index
      %get3A_133 = arith.constant 16 : index
      %get3A_134 = tpu.vector_load %arg6[%get3A_132, %get3A_133] {strides = array<i32>} : memref<512x128xf32, #tpu.memory_space<vmem>>, vector<1x16xf32>,
      %get3A_135 = vector.shape_cast %get3A_134 : vector<1x16xf32> to vector<16xf32>
      %mul3A_136 = arith.constant 2.500000e-01 : f32
      %mul3A_137 = vector.broadcast %mul3A_136 : f32 to vector<16xf32>
      %mul3A_138 = arith.mulf %get3A_135, %mul3A_137 : vector<16xf32>
      %add3A_139 = arith.constant 384 : i32
      %add3A_140 = arith.addi %add3A_139, %scan3A_115 : i32
      %swap3A_141 = arith.index_cast %add3A_140 : i32 to index
      %swap3A_142 = arith.constant 16 : index
      %swap3A_143 = tpu.vector_load %arg6[%swap3A_141, %swap3A_142] {strides = array<i32>} : memref<512x128xf32, #tpu.memory_space<vmem>>, vector<1x16xf32>,
      %swap3A_144 = vector.shape_cast %swap3A_143 : vector<1x16xf32> to vector<16xf32>
      %swap3A_145 = vector.shape_cast %mul3A_138 : vector<16xf32> to vector<1x16xf32>
      tpu.vector_store %arg6[%swap3A_141, %swap3A_142], %swap3A_145 {strides = array<i32>} : memref<512x128xf32, #tpu.memory_space<vmem>>, vector<1x16xf32>,
      %add3A_146 = arith.constant 384 : i32
      %add3A_147 = arith.addi %add3A_146, %scan3A_115 : i32
      %get3A_148 = arith.index_cast %add3A_147 : i32 to index
      %get3A_149 = arith.constant 32 : index
      %get3A_150 = tpu.vector_load %arg6[%get3A_148, %get3A_149] {strides = array<i32>} : memref<512x128xf32, #tpu.memory_space<vmem>>, vector<1x16xf32>,
      %get3A_151 = vector.shape_cast %get3A_150 : vector<1x16xf32> to vector<16xf32>
      %mul3A_152 = arith.constant 2.500000e-01 : f32
      %mul3A_153 = vector.broadcast %mul3A_152 : f32 to vector<16xf32>
      %mul3A_154 = arith.mulf %get3A_151, %mul3A_153 : vector<16xf32>
      %add3A_155 = arith.constant 384 : i32
      %add3A_156 = arith.addi %add3A_155, %scan3A_115 : i32
      %swap3A_157 = arith.index_cast %add3A_156 : i32 to index
      %swap3A_158 = arith.constant 32 : index
      %swap3A_159 = tpu.vector_load %arg6[%swap3A_157, %swap3A_158] {strides = array<i32>} : memref<512x128xf32, #tpu.memory_space<vmem>>, vector<1x16xf32>,
      %swap3A_160 = vector.shape_cast %swap3A_159 : vector<1x16xf32> to vector<16xf32>
      %swap3A_161 = vector.shape_cast %mul3A_154 : vector<16xf32> to vector<1x16xf32>
      tpu.vector_store %arg6[%swap3A_157, %swap3A_158], %swap3A_161 {strides = array<i32>} : memref<512x128xf32, #tpu.memory_space<vmem>>, vector<1x16xf32>,
      %add3A_162 = arith.constant 384 : i32
      %add3A_163 = arith.addi %add3A_162, %scan3A_115 : i32
      %get3A_164 = arith.index_cast %add3A_163 : i32 to index
      %get3A_165 = arith.constant 48 : index
      %get3A_166 = tpu.vector_load %arg6[%get3A_164, %get3A_165] {strides = array<i32>} : memref<512x128xf32, #tpu.memory_space<vmem>>, vector<1x16xf32>,
      %get3A_167 = vector.shape_cast %get3A_166 : vector<1x16xf32> to vector<16xf32>
      %mul3A_168 = arith.constant 2.500000e-01 : f32
      %mul3A_169 = vector.broadcast %mul3A_168 : f32 to vector<16xf32>
      %mul3A_170 = arith.mulf %get3A_167, %mul3A_169 : vector<16xf32>
      %add3A_171 = arith.constant 384 : i32
      %add3A_172 = arith.addi %add3A_171, %scan3A_115 : i32
      %swap3A_173 = arith.index_cast %add3A_172 : i32 to index
      %swap3A_174 = arith.constant 48 : index
      %swap3A_175 = tpu.vector_load %arg6[%swap3A_173, %swap3A_174] {strides = array<i32>} : memref<512x128xf32, #tpu.memory_space<vmem>>, vector<1x16xf32>,
      %swap3A_176 = vector.shape_cast %swap3A_175 : vector<1x16xf32> to vector<16xf32>
      %swap3A_177 = vector.shape_cast %mul3A_170 : vector<16xf32> to vector<1x16xf32>
      tpu.vector_store %arg6[%swap3A_173, %swap3A_174], %swap3A_177 {strides = array<i32>} : memref<512x128xf32, #tpu.memory_space<vmem>>, vector<1x16xf32>,
    }
    %scan3A_114 = arith.constant 128 : i32
    "tpu.region"() ({
      %run_scoped3A_115 = tpu.sem_alloc : memref<!tpu.dma_semaphore, #tpu.memory_space<semaphore_mem>>
      %dma_start3A_116 = arith.constant 0 : i32
      %dma_start3A_117 = tpu.memref_slice %arg4[%mul3A_2, %dma_start3A_116] : memref<16384x128xf32, #tpu.memory_space<hbm>> -> memref<512x128xf32, #tpu.memory_space<hbm>>
      %dma_start3A_118 = arith.constant 0 : i32
      %dma_start3A_119 = tpu.memref_slice %arg4[%mul3A_2, %dma_start3A_118] : memref<16384x128xf32, #tpu.memory_space<hbm>> -> memref<512x128xf32, #tpu.memory_space<hbm>>
      tpu.enqueue_dma source(%arg6 : memref<512x128xf32, #tpu.memory_space<vmem>>) target(%dma_start3A_119 : memref<512x128xf32, #tpu.memory_space<hbm>>) target_semaphore(%run_scoped3A_115 : memref<!tpu.dma_semaphore, #tpu.memory_space<semaphore_mem>>)
      %dma_wait3A_120 = arith.constant 0 : i32
      %dma_wait3A_121 = tpu.memref_slice %arg4[%mul3A_2, %dma_wait3A_120] : memref<16384x128xf32, #tpu.memory_space<hbm>> -> memref<512x128xf32, #tpu.memory_space<hbm>>
      %dma_wait3A_122 = arith.constant 0 : i32
      %dma_wait3A_123 = tpu.memref_slice %arg4[%mul3A_2, %dma_wait3A_122] : memref<16384x128xf32, #tpu.memory_space<hbm>> -> memref<512x128xf32, #tpu.memory_space<hbm>>
      tpu.wait_dma2 semaphore(%run_scoped3A_115 : memref<!tpu.dma_semaphore, #tpu.memory_space<semaphore_mem>>) src(%arg6 : memref<512x128xf32, #tpu.memory_space<vmem>>) dst(%dma_wait3A_123 : memref<512x128xf32, #tpu.memory_space<hbm>>)
      tpu.yield
    }) : () -> ()
    return
  }
}

#map = affine_map<(d0, d1) -> (0)>
#map1 = affine_map<(d0, d1) -> (0, 0)>
module attributes {stable_mosaic.version = 14 : i64} {
  func.func @gather_scale(%arg0: i32, %arg1: i32, %arg2: memref<16384xi32, #tpu.memory_space<hbm>>, %arg3: memref<100000x128xf32, #tpu.memory_space<hbm>>, %arg4: memref<16384x128xf32, #tpu.memory_space<hbm>>, %arg5: memref<4x128xi32, #tpu.memory_space<vmem>>, %arg6: memref<512x128xf32, #tpu.memory_space<vmem>>, %arg7: memref<!tpu.dma_semaphore, #tpu.memory_space<semaphore_mem>>) attributes {dimension_semantics = [#tpu.dimension_semantics<core_parallel>, #tpu.dimension_semantics<subcore_parallel>], iteration_bounds = array<i64: 2, 16>, scalar_prefetch = 0 : i64, scratch_operands = 3 : i64, tpu.core_type = #tpu.core_type<sc_vector_subcore>, window_params = [{transform_indices = #map}, {transform_indices = #map1}, {transform_indices = #map1}]} {
    %mul3A = arith.constant 2 : i32
    %mul3A_0 = arith.muli %arg1, %mul3A : i32
    %add3A = arith.addi %mul3A_0, %arg0 : i32
    %mul3A_1 = arith.constant 512 : i32
    %mul3A_2 = arith.muli %add3A, %mul3A_1 : i32
    %add3A_3 = arith.constant 0 : i32
    %add3A_4 = arith.addi %mul3A_2, %add3A_3 : i32
    %run_scoped3A = arith.constant 0 : i32
    "tpu.region"() ({
      %run_scoped3A_115 = tpu.sem_alloc : memref<!tpu.dma_semaphore, #tpu.memory_space<semaphore_mem>>
      %dma_start3A_116 = arith.constant 0 : i32
      %dma_start3A_117 = tpu.memref_slice %arg5[%run_scoped3A, %dma_start3A_116] : memref<4x128xi32, #tpu.memory_space<vmem>> -> memref<1x128xi32, #tpu.memory_space<vmem>>
      %dma_start3A_118 = tpu.memref_squeeze %dma_start3A_117 : memref<1x128xi32, #tpu.memory_space<vmem>> -> memref<128xi32, #tpu.memory_space<vmem>>
      %dma_start3A_119 = tpu.memref_slice %arg2[%add3A_4] : memref<16384xi32, #tpu.memory_space<hbm>> -> memref<128xi32, #tpu.memory_space<hbm>>
      %dma_start3A_120 = arith.constant 0 : i32
      %dma_start3A_121 = tpu.memref_slice %arg5[%run_scoped3A, %dma_start3A_120] : memref<4x128xi32, #tpu.memory_space<vmem>> -> memref<1x128xi32, #tpu.memory_space<vmem>>
      %dma_start3A_122 = tpu.memref_squeeze %dma_start3A_121 : memref<1x128xi32, #tpu.memory_space<vmem>> -> memref<128xi32, #tpu.memory_space<vmem>>
      %dma_start3A_123 = tpu.memref_slice %arg2[%add3A_4] : memref<16384xi32, #tpu.memory_space<hbm>> -> memref<128xi32, #tpu.memory_space<hbm>>
      tpu.enqueue_dma source(%dma_start3A_123 : memref<128xi32, #tpu.memory_space<hbm>>) target(%dma_start3A_122 : memref<128xi32, #tpu.memory_space<vmem>>) target_semaphore(%run_scoped3A_115 : memref<!tpu.dma_semaphore, #tpu.memory_space<semaphore_mem>>)
      %dma_wait3A_124 = arith.constant 0 : i32
      %dma_wait3A_125 = tpu.memref_slice %arg5[%run_scoped3A, %dma_wait3A_124] : memref<4x128xi32, #tpu.memory_space<vmem>> -> memref<1x128xi32, #tpu.memory_space<vmem>>
      %dma_wait3A_126 = tpu.memref_squeeze %dma_wait3A_125 : memref<1x128xi32, #tpu.memory_space<vmem>> -> memref<128xi32, #tpu.memory_space<vmem>>
      %dma_wait3A_127 = tpu.memref_slice %arg2[%add3A_4] : memref<16384xi32, #tpu.memory_space<hbm>> -> memref<128xi32, #tpu.memory_space<hbm>>
      %dma_wait3A_128 = arith.constant 0 : i32
      %dma_wait3A_129 = tpu.memref_slice %arg5[%run_scoped3A, %dma_wait3A_128] : memref<4x128xi32, #tpu.memory_space<vmem>> -> memref<1x128xi32, #tpu.memory_space<vmem>>
      %dma_wait3A_130 = tpu.memref_squeeze %dma_wait3A_129 : memref<1x128xi32, #tpu.memory_space<vmem>> -> memref<128xi32, #tpu.memory_space<vmem>>
      %dma_wait3A_131 = tpu.memref_slice %arg2[%add3A_4] : memref<16384xi32, #tpu.memory_space<hbm>> -> memref<128xi32, #tpu.memory_space<hbm>>
      tpu.wait_dma2 semaphore(%run_scoped3A_115 : memref<!tpu.dma_semaphore, #tpu.memory_space<semaphore_mem>>) src(%dma_wait3A_131 : memref<128xi32, #tpu.memory_space<hbm>>) dst(%dma_wait3A_130 : memref<128xi32, #tpu.memory_space<vmem>>)
      tpu.yield
    }) : () -> ()
    %add3A_5 = arith.constant 128 : i32
    %add3A_6 = arith.addi %mul3A_2, %add3A_5 : i32
    %run_scoped3A_7 = arith.constant 1 : i32
    "tpu.region"() ({
      %run_scoped3A_115 = tpu.sem_alloc : memref<!tpu.dma_semaphore, #tpu.memory_space<semaphore_mem>>
      %dma_start3A_116 = arith.constant 0 : i32
      %dma_start3A_117 = tpu.memref_slice %arg5[%run_scoped3A_7, %dma_start3A_116] : memref<4x128xi32, #tpu.memory_space<vmem>> -> memref<1x128xi32, #tpu.memory_space<vmem>>
      %dma_start3A_118 = tpu.memref_squeeze %dma_start3A_117 : memref<1x128xi32, #tpu.memory_space<vmem>> -> memref<128xi32, #tpu.memory_space<vmem>>
      %dma_start3A_119 = tpu.memref_slice %arg2[%add3A_6] : memref<16384xi32, #tpu.memory_space<hbm>> -> memref<128xi32, #tpu.memory_space<hbm>>
      %dma_start3A_120 = arith.constant 0 : i32
      %dma_start3A_121 = tpu.memref_slice %arg5[%run_scoped3A_7, %dma_start3A_120] : memref<4x128xi32, #tpu.memory_space<vmem>> -> memref<1x128xi32, #tpu.memory_space<vmem>>
      %dma_start3A_122 = tpu.memref_squeeze %dma_start3A_121 : memref<1x128xi32, #tpu.memory_space<vmem>> -> memref<128xi32, #tpu.memory_space<vmem>>
      %dma_start3A_123 = tpu.memref_slice %arg2[%add3A_6] : memref<16384xi32, #tpu.memory_space<hbm>> -> memref<128xi32, #tpu.memory_space<hbm>>
      tpu.enqueue_dma source(%dma_start3A_123 : memref<128xi32, #tpu.memory_space<hbm>>) target(%dma_start3A_122 : memref<128xi32, #tpu.memory_space<vmem>>) target_semaphore(%run_scoped3A_115 : memref<!tpu.dma_semaphore, #tpu.memory_space<semaphore_mem>>)
      %dma_wait3A_124 = arith.constant 0 : i32
      %dma_wait3A_125 = tpu.memref_slice %arg5[%run_scoped3A_7, %dma_wait3A_124] : memref<4x128xi32, #tpu.memory_space<vmem>> -> memref<1x128xi32, #tpu.memory_space<vmem>>
      %dma_wait3A_126 = tpu.memref_squeeze %dma_wait3A_125 : memref<1x128xi32, #tpu.memory_space<vmem>> -> memref<128xi32, #tpu.memory_space<vmem>>
      %dma_wait3A_127 = tpu.memref_slice %arg2[%add3A_6] : memref<16384xi32, #tpu.memory_space<hbm>> -> memref<128xi32, #tpu.memory_space<hbm>>
      %dma_wait3A_128 = arith.constant 0 : i32
      %dma_wait3A_129 = tpu.memref_slice %arg5[%run_scoped3A_7, %dma_wait3A_128] : memref<4x128xi32, #tpu.memory_space<vmem>> -> memref<1x128xi32, #tpu.memory_space<vmem>>
      %dma_wait3A_130 = tpu.memref_squeeze %dma_wait3A_129 : memref<1x128xi32, #tpu.memory_space<vmem>> -> memref<128xi32, #tpu.memory_space<vmem>>
      %dma_wait3A_131 = tpu.memref_slice %arg2[%add3A_6] : memref<16384xi32, #tpu.memory_space<hbm>> -> memref<128xi32, #tpu.memory_space<hbm>>
      tpu.wait_dma2 semaphore(%run_scoped3A_115 : memref<!tpu.dma_semaphore, #tpu.memory_space<semaphore_mem>>) src(%dma_wait3A_131 : memref<128xi32, #tpu.memory_space<hbm>>) dst(%dma_wait3A_130 : memref<128xi32, #tpu.memory_space<vmem>>)
      tpu.yield
    }) : () -> ()
    %add3A_8 = arith.constant 256 : i32
    %add3A_9 = arith.addi %mul3A_2, %add3A_8 : i32
    %run_scoped3A_10 = arith.constant 2 : i32
    "tpu.region"() ({
      %run_scoped3A_115 = tpu.sem_alloc : memref<!tpu.dma_semaphore, #tpu.memory_space<semaphore_mem>>
      %dma_start3A_116 = arith.constant 0 : i32
      %dma_start3A_117 = tpu.memref_slice %arg5[%run_scoped3A_10, %dma_start3A_116] : memref<4x128xi32, #tpu.memory_space<vmem>> -> memref<1x128xi32, #tpu.memory_space<vmem>>
      %dma_start3A_118 = tpu.memref_squeeze %dma_start3A_117 : memref<1x128xi32, #tpu.memory_space<vmem>> -> memref<128xi32, #tpu.memory_space<vmem>>
      %dma_start3A_119 = tpu.memref_slice %arg2[%add3A_9] : memref<16384xi32, #tpu.memory_space<hbm>> -> memref<128xi32, #tpu.memory_space<hbm>>
      %dma_start3A_120 = arith.constant 0 : i32
      %dma_start3A_121 = tpu.memref_slice %arg5[%run_scoped3A_10, %dma_start3A_120] : memref<4x128xi32, #tpu.memory_space<vmem>> -> memref<1x128xi32, #tpu.memory_space<vmem>>
      %dma_start3A_122 = tpu.memref_squeeze %dma_start3A_121 : memref<1x128xi32, #tpu.memory_space<vmem>> -> memref<128xi32, #tpu.memory_space<vmem>>
      %dma_start3A_123 = tpu.memref_slice %arg2[%add3A_9] : memref<16384xi32, #tpu.memory_space<hbm>> -> memref<128xi32, #tpu.memory_space<hbm>>
      tpu.enqueue_dma source(%dma_start3A_123 : memref<128xi32, #tpu.memory_space<hbm>>) target(%dma_start3A_122 : memref<128xi32, #tpu.memory_space<vmem>>) target_semaphore(%run_scoped3A_115 : memref<!tpu.dma_semaphore, #tpu.memory_space<semaphore_mem>>)
      %dma_wait3A_124 = arith.constant 0 : i32
      %dma_wait3A_125 = tpu.memref_slice %arg5[%run_scoped3A_10, %dma_wait3A_124] : memref<4x128xi32, #tpu.memory_space<vmem>> -> memref<1x128xi32, #tpu.memory_space<vmem>>
      %dma_wait3A_126 = tpu.memref_squeeze %dma_wait3A_125 : memref<1x128xi32, #tpu.memory_space<vmem>> -> memref<128xi32, #tpu.memory_space<vmem>>
      %dma_wait3A_127 = tpu.memref_slice %arg2[%add3A_9] : memref<16384xi32, #tpu.memory_space<hbm>> -> memref<128xi32, #tpu.memory_space<hbm>>
      %dma_wait3A_128 = arith.constant 0 : i32
      %dma_wait3A_129 = tpu.memref_slice %arg5[%run_scoped3A_10, %dma_wait3A_128] : memref<4x128xi32, #tpu.memory_space<vmem>> -> memref<1x128xi32, #tpu.memory_space<vmem>>
      %dma_wait3A_130 = tpu.memref_squeeze %dma_wait3A_129 : memref<1x128xi32, #tpu.memory_space<vmem>> -> memref<128xi32, #tpu.memory_space<vmem>>
      %dma_wait3A_131 = tpu.memref_slice %arg2[%add3A_9] : memref<16384xi32, #tpu.memory_space<hbm>> -> memref<128xi32, #tpu.memory_space<hbm>>
      tpu.wait_dma2 semaphore(%run_scoped3A_115 : memref<!tpu.dma_semaphore, #tpu.memory_space<semaphore_mem>>) src(%dma_wait3A_131 : memref<128xi32, #tpu.memory_space<hbm>>) dst(%dma_wait3A_130 : memref<128xi32, #tpu.memory_space<vmem>>)
      tpu.yield
    }) : () -> ()
    %add3A_11 = arith.constant 384 : i32
    %add3A_12 = arith.addi %mul3A_2, %add3A_11 : i32
    %run_scoped3A_13 = arith.constant 3 : i32
    "tpu.region"() ({
      %run_scoped3A_115 = tpu.sem_alloc : memref<!tpu.dma_semaphore, #tpu.memory_space<semaphore_mem>>
      %dma_start3A_116 = arith.constant 0 : i32
      %dma_start3A_117 = tpu.memref_slice %arg5[%run_scoped3A_13, %dma_start3A_116] : memref<4x128xi32, #tpu.memory_space<vmem>> -> memref<1x128xi32, #tpu.memory_space<vmem>>
      %dma_start3A_118 = tpu.memref_squeeze %dma_start3A_117 : memref<1x128xi32, #tpu.memory_space<vmem>> -> memref<128xi32, #tpu.memory_space<vmem>>
      %dma_start3A_119 = tpu.memref_slice %arg2[%add3A_12] : memref<16384xi32, #tpu.memory_space<hbm>> -> memref<128xi32, #tpu.memory_space<hbm>>
      %dma_start3A_120 = arith.constant 0 : i32
      %dma_start3A_121 = tpu.memref_slice %arg5[%run_scoped3A_13, %dma_start3A_120] : memref<4x128xi32, #tpu.memory_space<vmem>> -> memref<1x128xi32, #tpu.memory_space<vmem>>
      %dma_start3A_122 = tpu.memref_squeeze %dma_start3A_121 : memref<1x128xi32, #tpu.memory_space<vmem>> -> memref<128xi32, #tpu.memory_space<vmem>>
      %dma_start3A_123 = tpu.memref_slice %arg2[%add3A_12] : memref<16384xi32, #tpu.memory_space<hbm>> -> memref<128xi32, #tpu.memory_space<hbm>>
      tpu.enqueue_dma source(%dma_start3A_123 : memref<128xi32, #tpu.memory_space<hbm>>) target(%dma_start3A_122 : memref<128xi32, #tpu.memory_space<vmem>>) target_semaphore(%run_scoped3A_115 : memref<!tpu.dma_semaphore, #tpu.memory_space<semaphore_mem>>)
      %dma_wait3A_124 = arith.constant 0 : i32
      %dma_wait3A_125 = tpu.memref_slice %arg5[%run_scoped3A_13, %dma_wait3A_124] : memref<4x128xi32, #tpu.memory_space<vmem>> -> memref<1x128xi32, #tpu.memory_space<vmem>>
      %dma_wait3A_126 = tpu.memref_squeeze %dma_wait3A_125 : memref<1x128xi32, #tpu.memory_space<vmem>> -> memref<128xi32, #tpu.memory_space<vmem>>
      %dma_wait3A_127 = tpu.memref_slice %arg2[%add3A_12] : memref<16384xi32, #tpu.memory_space<hbm>> -> memref<128xi32, #tpu.memory_space<hbm>>
      %dma_wait3A_128 = arith.constant 0 : i32
      %dma_wait3A_129 = tpu.memref_slice %arg5[%run_scoped3A_13, %dma_wait3A_128] : memref<4x128xi32, #tpu.memory_space<vmem>> -> memref<1x128xi32, #tpu.memory_space<vmem>>
      %dma_wait3A_130 = tpu.memref_squeeze %dma_wait3A_129 : memref<1x128xi32, #tpu.memory_space<vmem>> -> memref<128xi32, #tpu.memory_space<vmem>>
      %dma_wait3A_131 = tpu.memref_slice %arg2[%add3A_12] : memref<16384xi32, #tpu.memory_space<hbm>> -> memref<128xi32, #tpu.memory_space<hbm>>
      tpu.wait_dma2 semaphore(%run_scoped3A_115 : memref<!tpu.dma_semaphore, #tpu.memory_space<semaphore_mem>>) src(%dma_wait3A_131 : memref<128xi32, #tpu.memory_space<hbm>>) dst(%dma_wait3A_130 : memref<128xi32, #tpu.memory_space<vmem>>)
      tpu.yield
    }) : () -> ()
    %dma_start3A = arith.constant 0 : i32
    %dma_start3A_14 = arith.constant 0 : i32
    %dma_start3A_15 = arith.constant 0 : i32
    %dma_start3A_16 = tpu.memref_slice %arg6[%dma_start3A_14, %dma_start3A_15] : memref<512x128xf32, #tpu.memory_space<vmem>> -> memref<128x128xf32, #tpu.memory_space<vmem>>
    %dma_start3A_17 = arith.constant 0 : i32
    %dma_start3A_18 = tpu.memref_slice %arg5[%dma_start3A, %dma_start3A_17] : memref<4x128xi32, #tpu.memory_space<vmem>> -> memref<1x128xi32, #tpu.memory_space<vmem>>
    %dma_start3A_19 = tpu.memref_squeeze %dma_start3A_18 : memref<1x128xi32, #tpu.memory_space<vmem>> -> memref<128xi32, #tpu.memory_space<vmem>>
    %dma_start3A_20 = arith.constant 0 : i32
    %dma_start3A_21 = arith.constant 0 : i32
    %dma_start3A_22 = tpu.memref_slice %arg3[%dma_start3A_20, %dma_start3A_21] : memref<100000x128xf32, #tpu.memory_space<hbm>> -> memref<100000x128xf32, #tpu.memory_space<hbm>>
    tpu.enqueue_indirect_dma source(%dma_start3A_22 : memref<100000x128xf32, #tpu.memory_space<hbm>>) target(%dma_start3A_16 : memref<128x128xf32, #tpu.memory_space<vmem>>) offsets(%dma_start3A_19 : memref<128xi32, #tpu.memory_space<vmem>>) semaphore(%arg7 : memref<!tpu.dma_semaphore, #tpu.memory_space<semaphore_mem>>)
    %dma_start3A_23 = arith.constant 1 : i32
    %dma_start3A_24 = arith.constant 128 : i32
    %dma_start3A_25 = arith.constant 0 : i32
    %dma_start3A_26 = tpu.memref_slice %arg6[%dma_start3A_24, %dma_start3A_25] : memref<512x128xf32, #tpu.memory_space<vmem>> -> memref<128x128xf32, #tpu.memory_space<vmem>>
    %dma_start3A_27 = arith.constant 0 : i32
    %dma_start3A_28 = tpu.memref_slice %arg5[%dma_start3A_23, %dma_start3A_27] : memref<4x128xi32, #tpu.memory_space<vmem>> -> memref<1x128xi32, #tpu.memory_space<vmem>>
    %dma_start3A_29 = tpu.memref_squeeze %dma_start3A_28 : memref<1x128xi32, #tpu.memory_space<vmem>> -> memref<128xi32, #tpu.memory_space<vmem>>
    %dma_start3A_30 = arith.constant 0 : i32
    %dma_start3A_31 = arith.constant 0 : i32
    %dma_start3A_32 = tpu.memref_slice %arg3[%dma_start3A_30, %dma_start3A_31] : memref<100000x128xf32, #tpu.memory_space<hbm>> -> memref<100000x128xf32, #tpu.memory_space<hbm>>
    tpu.enqueue_indirect_dma source(%dma_start3A_32 : memref<100000x128xf32, #tpu.memory_space<hbm>>) target(%dma_start3A_26 : memref<128x128xf32, #tpu.memory_space<vmem>>) offsets(%dma_start3A_29 : memref<128xi32, #tpu.memory_space<vmem>>) semaphore(%arg7 : memref<!tpu.dma_semaphore, #tpu.memory_space<semaphore_mem>>)
    %dma_start3A_33 = arith.constant 2 : i32
    %dma_start3A_34 = arith.constant 256 : i32
    %dma_start3A_35 = arith.constant 0 : i32
    %dma_start3A_36 = tpu.memref_slice %arg6[%dma_start3A_34, %dma_start3A_35] : memref<512x128xf32, #tpu.memory_space<vmem>> -> memref<128x128xf32, #tpu.memory_space<vmem>>
    %dma_start3A_37 = arith.constant 0 : i32
    %dma_start3A_38 = tpu.memref_slice %arg5[%dma_start3A_33, %dma_start3A_37] : memref<4x128xi32, #tpu.memory_space<vmem>> -> memref<1x128xi32, #tpu.memory_space<vmem>>
    %dma_start3A_39 = tpu.memref_squeeze %dma_start3A_38 : memref<1x128xi32, #tpu.memory_space<vmem>> -> memref<128xi32, #tpu.memory_space<vmem>>
    %dma_start3A_40 = arith.constant 0 : i32
    %dma_start3A_41 = arith.constant 0 : i32
    %dma_start3A_42 = tpu.memref_slice %arg3[%dma_start3A_40, %dma_start3A_41] : memref<100000x128xf32, #tpu.memory_space<hbm>> -> memref<100000x128xf32, #tpu.memory_space<hbm>>
    tpu.enqueue_indirect_dma source(%dma_start3A_42 : memref<100000x128xf32, #tpu.memory_space<hbm>>) target(%dma_start3A_36 : memref<128x128xf32, #tpu.memory_space<vmem>>) offsets(%dma_start3A_39 : memref<128xi32, #tpu.memory_space<vmem>>) semaphore(%arg7 : memref<!tpu.dma_semaphore, #tpu.memory_space<semaphore_mem>>)
    %dma_start3A_43 = arith.constant 3 : i32
    %dma_start3A_44 = arith.constant 384 : i32
    %dma_start3A_45 = arith.constant 0 : i32
    %dma_start3A_46 = tpu.memref_slice %arg6[%dma_start3A_44, %dma_start3A_45] : memref<512x128xf32, #tpu.memory_space<vmem>> -> memref<128x128xf32, #tpu.memory_space<vmem>>
    %dma_start3A_47 = arith.constant 0 : i32
    %dma_start3A_48 = tpu.memref_slice %arg5[%dma_start3A_43, %dma_start3A_47] : memref<4x128xi32, #tpu.memory_space<vmem>> -> memref<1x128xi32, #tpu.memory_space<vmem>>
    %dma_start3A_49 = tpu.memref_squeeze %dma_start3A_48 : memref<1x128xi32, #tpu.memory_space<vmem>> -> memref<128xi32, #tpu.memory_space<vmem>>
    %dma_start3A_50 = arith.constant 0 : i32
    %dma_start3A_51 = arith.constant 0 : i32
    %dma_start3A_52 = tpu.memref_slice %arg3[%dma_start3A_50, %dma_start3A_51] : memref<100000x128xf32, #tpu.memory_space<hbm>> -> memref<100000x128xf32, #tpu.memory_space<hbm>>
    tpu.enqueue_indirect_dma source(%dma_start3A_52 : memref<100000x128xf32, #tpu.memory_space<hbm>>) target(%dma_start3A_46 : memref<128x128xf32, #tpu.memory_space<vmem>>) offsets(%dma_start3A_49 : memref<128xi32, #tpu.memory_space<vmem>>) semaphore(%arg7 : memref<!tpu.dma_semaphore, #tpu.memory_space<semaphore_mem>>)
    %dma_wait3A = arith.constant 0 : i32
    %dma_wait3A_53 = arith.constant 0 : i32
    %dma_wait3A_54 = arith.constant 0 : i32
    %dma_wait3A_55 = tpu.memref_slice %arg6[%dma_wait3A_53, %dma_wait3A_54] : memref<512x128xf32, #tpu.memory_space<vmem>> -> memref<128x128xf32, #tpu.memory_space<vmem>>
    %dma_wait3A_56 = arith.constant 0 : i32
    %dma_wait3A_57 = tpu.memref_slice %arg5[%dma_wait3A, %dma_wait3A_56] : memref<4x128xi32, #tpu.memory_space<vmem>> -> memref<1x128xi32, #tpu.memory_space<vmem>>
    %dma_wait3A_58 = tpu.memref_squeeze %dma_wait3A_57 : memref<1x128xi32, #tpu.memory_space<vmem>> -> memref<128xi32, #tpu.memory_space<vmem>>
    %dma_wait3A_59 = arith.constant 0 : i32
    %dma_wait3A_60 = arith.constant 0 : i32
    %dma_wait3A_61 = tpu.memref_slice %arg3[%dma_wait3A_59, %dma_wait3A_60] : memref<100000x128xf32, #tpu.memory_space<hbm>> -> memref<100000x128xf32, #tpu.memory_space<hbm>>
    tpu.wait_indirect_dma semaphore(%arg7 : memref<!tpu.dma_semaphore, #tpu.memory_space<semaphore_mem>>) src(%dma_wait3A_61 : memref<100000x128xf32, #tpu.memory_space<hbm>>) dst(%dma_wait3A_55 : memref<128x128xf32, #tpu.memory_space<vmem>>)
    %scan3A = arith.constant 0 : i32
    %scan3A_62 = arith.constant 0 : i32
    %scan3A_63 = arith.constant 128 : i32
    %scan3A_64 = arith.addi %scan3A_62, %scan3A_63 : i32
    %scan3A_65 = arith.constant 1 : i32
    scf.for %scan3A_115 = %scan3A_62 to %scan3A_64 step %scan3A_65  : i32 {
      %add3A_116 = arith.constant 0 : i32
      %add3A_117 = arith.addi %add3A_116, %scan3A_115 : i32
      %get3A = arith.index_cast %add3A_117 : i32 to index
      %get3A_118 = arith.constant 0 : index
      %get3A_119 = tpu.vector_load %arg6[%get3A, %get3A_118] {strides = array<i32>} : memref<512x128xf32, #tpu.memory_space<vmem>>, vector<1x16xf32>,
      %get3A_120 = vector.shape_cast %get3A_119 : vector<1x16xf32> to vector<16xf32>
      %mul3A_121 = arith.constant 2.500000e-01 : f32
      %mul3A_122 = vector.broadcast %mul3A_121 : f32 to vector<16xf32>
      %mul3A_123 = arith.mulf %get3A_120, %mul3A_122 : vector<16xf32>
      %add3A_124 = arith.constant 0 : i32
      %add3A_125 = arith.addi %add3A_124, %scan3A_115 : i32
      %swap3A = arith.index_cast %add3A_125 : i32 to index
      %swap3A_126 = arith.constant 0 : index
      %swap3A_127 = tpu.vector_load %arg6[%swap3A, %swap3A_126] {strides = array<i32>} : memref<512x128xf32, #tpu.memory_space<vmem>>, vector<1x16xf32>,
      %swap3A_128 = vector.shape_cast %swap3A_127 : vector<1x16xf32> to vector<16xf32>
      %swap3A_129 = vector.shape_cast %mul3A_123 : vector<16xf32> to vector<1x16xf32>
      tpu.vector_store %arg6[%swap3A, %swap3A_126], %swap3A_129 {strides = array<i32>} : memref<512x128xf32, #tpu.memory_space<vmem>>, vector<1x16xf32>,
      %add3A_130 = arith.constant 0 : i32
      %add3A_131 = arith.addi %add3A_130, %scan3A_115 : i32
      %get3A_132 = arith.index_cast %add3A_131 : i32 to index
      %get3A_133 = arith.constant 16 : index
      %get3A_134 = tpu.vector_load %arg6[%get3A_132, %get3A_133] {strides = array<i32>} : memref<512x128xf32, #tpu.memory_space<vmem>>, vector<1x16xf32>,
      %get3A_135 = vector.shape_cast %get3A_134 : vector<1x16xf32> to vector<16xf32>
      %mul3A_136 = arith.constant 2.500000e-01 : f32
      %mul3A_137 = vector.broadcast %mul3A_136 : f32 to vector<16xf32>
      %mul3A_138 = arith.mulf %get3A_135, %mul3A_137 : vector<16xf32>
      %add3A_139 = arith.constant 0 : i32
      %add3A_140 = arith.addi %add3A_139, %scan3A_115 : i32
      %swap3A_141 = arith.index_cast %add3A_140 : i32 to index
      %swap3A_142 = arith.constant 16 : index
      %swap3A_143 = tpu.vector_load %arg6[%swap3A_141, %swap3A_142] {strides = array<i32>} : memref<512x128xf32, #tpu.memory_space<vmem>>, vector<1x16xf32>,
      %swap3A_144 = vector.shape_cast %swap3A_143 : vector<1x16xf32> to vector<16xf32>
      %swap3A_145 = vector.shape_cast %mul3A_138 : vector<16xf32> to vector<1x16xf32>
      tpu.vector_store %arg6[%swap3A_141, %swap3A_142], %swap3A_145 {strides = array<i32>} : memref<512x128xf32, #tpu.memory_space<vmem>>, vector<1x16xf32>,
      %add3A_146 = arith.constant 0 : i32
      %add3A_147 = arith.addi %add3A_146, %scan3A_115 : i32
      %get3A_148 = arith.index_cast %add3A_147 : i32 to index
      %get3A_149 = arith.constant 32 : index
      %get3A_150 = tpu.vector_load %arg6[%get3A_148, %get3A_149] {strides = array<i32>} : memref<512x128xf32, #tpu.memory_space<vmem>>, vector<1x16xf32>,
      %get3A_151 = vector.shape_cast %get3A_150 : vector<1x16xf32> to vector<16xf32>
      %mul3A_152 = arith.constant 2.500000e-01 : f32
      %mul3A_153 = vector.broadcast %mul3A_152 : f32 to vector<16xf32>
      %mul3A_154 = arith.mulf %get3A_151, %mul3A_153 : vector<16xf32>
      %add3A_155 = arith.constant 0 : i32
      %add3A_156 = arith.addi %add3A_155, %scan3A_115 : i32
      %swap3A_157 = arith.index_cast %add3A_156 : i32 to index
      %swap3A_158 = arith.constant 32 : index
      %swap3A_159 = tpu.vector_load %arg6[%swap3A_157, %swap3A_158] {strides = array<i32>} : memref<512x128xf32, #tpu.memory_space<vmem>>, vector<1x16xf32>,
      %swap3A_160 = vector.shape_cast %swap3A_159 : vector<1x16xf32> to vector<16xf32>
      %swap3A_161 = vector.shape_cast %mul3A_154 : vector<16xf32> to vector<1x16xf32>
      tpu.vector_store %arg6[%swap3A_157, %swap3A_158], %swap3A_161 {strides = array<i32>} : memref<512x128xf32, #tpu.memory_space<vmem>>, vector<1x16xf32>,
      %add3A_162 = arith.constant 0 : i32
      %add3A_163 = arith.addi %add3A_162, %scan3A_115 : i32
      %get3A_164 = arith.index_cast %add3A_163 : i32 to index
      %get3A_165 = arith.constant 48 : index
      %get3A_166 = tpu.vector_load %arg6[%get3A_164, %get3A_165] {strides = array<i32>} : memref<512x128xf32, #tpu.memory_space<vmem>>, vector<1x16xf32>,
      %get3A_167 = vector.shape_cast %get3A_166 : vector<1x16xf32> to vector<16xf32>
      %mul3A_168 = arith.constant 2.500000e-01 : f32
      %mul3A_169 = vector.broadcast %mul3A_168 : f32 to vector<16xf32>
      %mul3A_170 = arith.mulf %get3A_167, %mul3A_169 : vector<16xf32>
      %add3A_171 = arith.constant 0 : i32
      %add3A_172 = arith.addi %add3A_171, %scan3A_115 : i32
      %swap3A_173 = arith.index_cast %add3A_172 : i32 to index
      %swap3A_174 = arith.constant 48 : index
      %swap3A_175 = tpu.vector_load %arg6[%swap3A_173, %swap3A_174] {strides = array<i32>} : memref<512x128xf32, #tpu.memory_space<vmem>>, vector<1x16xf32>,
      %swap3A_176 = vector.shape_cast %swap3A_175 : vector<1x16xf32> to vector<16xf32>
      %swap3A_177 = vector.shape_cast %mul3A_170 : vector<16xf32> to vector<1x16xf32>
      tpu.vector_store %arg6[%swap3A_173, %swap3A_174], %swap3A_177 {strides = array<i32>} : memref<512x128xf32, #tpu.memory_space<vmem>>, vector<1x16xf32>,
    }
    %scan3A_66 = arith.constant 128 : i32
    %dma_wait3A_67 = arith.constant 1 : i32
    %dma_wait3A_68 = arith.constant 128 : i32
    %dma_wait3A_69 = arith.constant 0 : i32
    %dma_wait3A_70 = tpu.memref_slice %arg6[%dma_wait3A_68, %dma_wait3A_69] : memref<512x128xf32, #tpu.memory_space<vmem>> -> memref<128x128xf32, #tpu.memory_space<vmem>>
    %dma_wait3A_71 = arith.constant 0 : i32
    %dma_wait3A_72 = tpu.memref_slice %arg5[%dma_wait3A_67, %dma_wait3A_71] : memref<4x128xi32, #tpu.memory_space<vmem>> -> memref<1x128xi32, #tpu.memory_space<vmem>>
    %dma_wait3A_73 = tpu.memref_squeeze %dma_wait3A_72 : memref<1x128xi32, #tpu.memory_space<vmem>> -> memref<128xi32, #tpu.memory_space<vmem>>
    %dma_wait3A_74 = arith.constant 0 : i32
    %dma_wait3A_75 = arith.constant 0 : i32
    %dma_wait3A_76 = tpu.memref_slice %arg3[%dma_wait3A_74, %dma_wait3A_75] : memref<100000x128xf32, #tpu.memory_space<hbm>> -> memref<100000x128xf32, #tpu.memory_space<hbm>>
    tpu.wait_indirect_dma semaphore(%arg7 : memref<!tpu.dma_semaphore, #tpu.memory_space<semaphore_mem>>) src(%dma_wait3A_76 : memref<100000x128xf32, #tpu.memory_space<hbm>>) dst(%dma_wait3A_70 : memref<128x128xf32, #tpu.memory_space<vmem>>)
    %scan3A_77 = arith.constant 0 : i32
    %scan3A_78 = arith.constant 0 : i32
    %scan3A_79 = arith.constant 128 : i32
    %scan3A_80 = arith.addi %scan3A_78, %scan3A_79 : i32
    %scan3A_81 = arith.constant 1 : i32
    scf.for %scan3A_115 = %scan3A_78 to %scan3A_80 step %scan3A_81  : i32 {
      %add3A_116 = arith.constant 128 : i32
      %add3A_117 = arith.addi %add3A_116, %scan3A_115 : i32
      %get3A = arith.index_cast %add3A_117 : i32 to index
      %get3A_118 = arith.constant 0 : index
      %get3A_119 = tpu.vector_load %arg6[%get3A, %get3A_118] {strides = array<i32>} : memref<512x128xf32, #tpu.memory_space<vmem>>, vector<1x16xf32>,
      %get3A_120 = vector.shape_cast %get3A_119 : vector<1x16xf32> to vector<16xf32>
      %mul3A_121 = arith.constant 2.500000e-01 : f32
      %mul3A_122 = vector.broadcast %mul3A_121 : f32 to vector<16xf32>
      %mul3A_123 = arith.mulf %get3A_120, %mul3A_122 : vector<16xf32>
      %add3A_124 = arith.constant 128 : i32
      %add3A_125 = arith.addi %add3A_124, %scan3A_115 : i32
      %swap3A = arith.index_cast %add3A_125 : i32 to index
      %swap3A_126 = arith.constant 0 : index
      %swap3A_127 = tpu.vector_load %arg6[%swap3A, %swap3A_126] {strides = array<i32>} : memref<512x128xf32, #tpu.memory_space<vmem>>, vector<1x16xf32>,
      %swap3A_128 = vector.shape_cast %swap3A_127 : vector<1x16xf32> to vector<16xf32>
      %swap3A_129 = vector.shape_cast %mul3A_123 : vector<16xf32> to vector<1x16xf32>
      tpu.vector_store %arg6[%swap3A, %swap3A_126], %swap3A_129 {strides = array<i32>} : memref<512x128xf32, #tpu.memory_space<vmem>>, vector<1x16xf32>,
      %add3A_130 = arith.constant 128 : i32
      %add3A_131 = arith.addi %add3A_130, %scan3A_115 : i32
      %get3A_132 = arith.index_cast %add3A_131 : i32 to index
      %get3A_133 = arith.constant 16 : index
      %get3A_134 = tpu.vector_load %arg6[%get3A_132, %get3A_133] {strides = array<i32>} : memref<512x128xf32, #tpu.memory_space<vmem>>, vector<1x16xf32>,
      %get3A_135 = vector.shape_cast %get3A_134 : vector<1x16xf32> to vector<16xf32>
      %mul3A_136 = arith.constant 2.500000e-01 : f32
      %mul3A_137 = vector.broadcast %mul3A_136 : f32 to vector<16xf32>
      %mul3A_138 = arith.mulf %get3A_135, %mul3A_137 : vector<16xf32>
      %add3A_139 = arith.constant 128 : i32
      %add3A_140 = arith.addi %add3A_139, %scan3A_115 : i32
      %swap3A_141 = arith.index_cast %add3A_140 : i32 to index
      %swap3A_142 = arith.constant 16 : index
      %swap3A_143 = tpu.vector_load %arg6[%swap3A_141, %swap3A_142] {strides = array<i32>} : memref<512x128xf32, #tpu.memory_space<vmem>>, vector<1x16xf32>,
      %swap3A_144 = vector.shape_cast %swap3A_143 : vector<1x16xf32> to vector<16xf32>
      %swap3A_145 = vector.shape_cast %mul3A_138 : vector<16xf32> to vector<1x16xf32>
      tpu.vector_store %arg6[%swap3A_141, %swap3A_142], %swap3A_145 {strides = array<i32>} : memref<512x128xf32, #tpu.memory_space<vmem>>, vector<1x16xf32>,
      %add3A_146 = arith.constant 128 : i32
      %add3A_147 = arith.addi %add3A_146, %scan3A_115 : i32
      %get3A_148 = arith.index_cast %add3A_147 : i32 to index
      %get3A_149 = arith.constant 32 : index
      %get3A_150 = tpu.vector_load %arg6[%get3A_148, %get3A_149] {strides = array<i32>} : memref<512x128xf32, #tpu.memory_space<vmem>>, vector<1x16xf32>,
      %get3A_151 = vector.shape_cast %get3A_150 : vector<1x16xf32> to vector<16xf32>
      %mul3A_152 = arith.constant 2.500000e-01 : f32
      %mul3A_153 = vector.broadcast %mul3A_152 : f32 to vector<16xf32>
      %mul3A_154 = arith.mulf %get3A_151, %mul3A_153 : vector<16xf32>
      %add3A_155 = arith.constant 128 : i32
      %add3A_156 = arith.addi %add3A_155, %scan3A_115 : i32
      %swap3A_157 = arith.index_cast %add3A_156 : i32 to index
      %swap3A_158 = arith.constant 32 : index
      %swap3A_159 = tpu.vector_load %arg6[%swap3A_157, %swap3A_158] {strides = array<i32>} : memref<512x128xf32, #tpu.memory_space<vmem>>, vector<1x16xf32>,
      %swap3A_160 = vector.shape_cast %swap3A_159 : vector<1x16xf32> to vector<16xf32>
      %swap3A_161 = vector.shape_cast %mul3A_154 : vector<16xf32> to vector<1x16xf32>
      tpu.vector_store %arg6[%swap3A_157, %swap3A_158], %swap3A_161 {strides = array<i32>} : memref<512x128xf32, #tpu.memory_space<vmem>>, vector<1x16xf32>,
      %add3A_162 = arith.constant 128 : i32
      %add3A_163 = arith.addi %add3A_162, %scan3A_115 : i32
      %get3A_164 = arith.index_cast %add3A_163 : i32 to index
      %get3A_165 = arith.constant 48 : index
      %get3A_166 = tpu.vector_load %arg6[%get3A_164, %get3A_165] {strides = array<i32>} : memref<512x128xf32, #tpu.memory_space<vmem>>, vector<1x16xf32>,
      %get3A_167 = vector.shape_cast %get3A_166 : vector<1x16xf32> to vector<16xf32>
      %mul3A_168 = arith.constant 2.500000e-01 : f32
      %mul3A_169 = vector.broadcast %mul3A_168 : f32 to vector<16xf32>
      %mul3A_170 = arith.mulf %get3A_167, %mul3A_169 : vector<16xf32>
      %add3A_171 = arith.constant 128 : i32
      %add3A_172 = arith.addi %add3A_171, %scan3A_115 : i32
      %swap3A_173 = arith.index_cast %add3A_172 : i32 to index
      %swap3A_174 = arith.constant 48 : index
      %swap3A_175 = tpu.vector_load %arg6[%swap3A_173, %swap3A_174] {strides = array<i32>} : memref<512x128xf32, #tpu.memory_space<vmem>>, vector<1x16xf32>,
      %swap3A_176 = vector.shape_cast %swap3A_175 : vector<1x16xf32> to vector<16xf32>
      %swap3A_177 = vector.shape_cast %mul3A_170 : vector<16xf32> to vector<1x16xf32>
      tpu.vector_store %arg6[%swap3A_173, %swap3A_174], %swap3A_177 {strides = array<i32>} : memref<512x128xf32, #tpu.memory_space<vmem>>, vector<1x16xf32>,
    }
    %scan3A_82 = arith.constant 128 : i32
    %dma_wait3A_83 = arith.constant 2 : i32
    %dma_wait3A_84 = arith.constant 256 : i32
    %dma_wait3A_85 = arith.constant 0 : i32
    %dma_wait3A_86 = tpu.memref_slice %arg6[%dma_wait3A_84, %dma_wait3A_85] : memref<512x128xf32, #tpu.memory_space<vmem>> -> memref<128x128xf32, #tpu.memory_space<vmem>>
    %dma_wait3A_87 = arith.constant 0 : i32
    %dma_wait3A_88 = tpu.memref_slice %arg5[%dma_wait3A_83, %dma_wait3A_87] : memref<4x128xi32, #tpu.memory_space<vmem>> -> memref<1x128xi32, #tpu.memory_space<vmem>>
    %dma_wait3A_89 = tpu.memref_squeeze %dma_wait3A_88 : memref<1x128xi32, #tpu.memory_space<vmem>> -> memref<128xi32, #tpu.memory_space<vmem>>
    %dma_wait3A_90 = arith.constant 0 : i32
    %dma_wait3A_91 = arith.constant 0 : i32
    %dma_wait3A_92 = tpu.memref_slice %arg3[%dma_wait3A_90, %dma_wait3A_91] : memref<100000x128xf32, #tpu.memory_space<hbm>> -> memref<100000x128xf32, #tpu.memory_space<hbm>>
    tpu.wait_indirect_dma semaphore(%arg7 : memref<!tpu.dma_semaphore, #tpu.memory_space<semaphore_mem>>) src(%dma_wait3A_92 : memref<100000x128xf32, #tpu.memory_space<hbm>>) dst(%dma_wait3A_86 : memref<128x128xf32, #tpu.memory_space<vmem>>)
    %scan3A_93 = arith.constant 0 : i32
    %scan3A_94 = arith.constant 0 : i32
    %scan3A_95 = arith.constant 128 : i32
    %scan3A_96 = arith.addi %scan3A_94, %scan3A_95 : i32
    %scan3A_97 = arith.constant 1 : i32
    scf.for %scan3A_115 = %scan3A_94 to %scan3A_96 step %scan3A_97  : i32 {
      %add3A_116 = arith.constant 256 : i32
      %add3A_117 = arith.addi %add3A_116, %scan3A_115 : i32
      %get3A = arith.index_cast %add3A_117 : i32 to index
      %get3A_118 = arith.constant 0 : index
      %get3A_119 = tpu.vector_load %arg6[%get3A, %get3A_118] {strides = array<i32>} : memref<512x128xf32, #tpu.memory_space<vmem>>, vector<1x16xf32>,
      %get3A_120 = vector.shape_cast %get3A_119 : vector<1x16xf32> to vector<16xf32>
      %mul3A_121 = arith.constant 2.500000e-01 : f32
      %mul3A_122 = vector.broadcast %mul3A_121 : f32 to vector<16xf32>
      %mul3A_123 = arith.mulf %get3A_120, %mul3A_122 : vector<16xf32>
      %add3A_124 = arith.constant 256 : i32
      %add3A_125 = arith.addi %add3A_124, %scan3A_115 : i32
      %swap3A = arith.index_cast %add3A_125 : i32 to index
      %swap3A_126 = arith.constant 0 : index
      %swap3A_127 = tpu.vector_load %arg6[%swap3A, %swap3A_126] {strides = array<i32>} : memref<512x128xf32, #tpu.memory_space<vmem>>, vector<1x16xf32>,
      %swap3A_128 = vector.shape_cast %swap3A_127 : vector<1x16xf32> to vector<16xf32>
      %swap3A_129 = vector.shape_cast %mul3A_123 : vector<16xf32> to vector<1x16xf32>
      tpu.vector_store %arg6[%swap3A, %swap3A_126], %swap3A_129 {strides = array<i32>} : memref<512x128xf32, #tpu.memory_space<vmem>>, vector<1x16xf32>,
      %add3A_130 = arith.constant 256 : i32
      %add3A_131 = arith.addi %add3A_130, %scan3A_115 : i32
      %get3A_132 = arith.index_cast %add3A_131 : i32 to index
      %get3A_133 = arith.constant 16 : index
      %get3A_134 = tpu.vector_load %arg6[%get3A_132, %get3A_133] {strides = array<i32>} : memref<512x128xf32, #tpu.memory_space<vmem>>, vector<1x16xf32>,
      %get3A_135 = vector.shape_cast %get3A_134 : vector<1x16xf32> to vector<16xf32>
      %mul3A_136 = arith.constant 2.500000e-01 : f32
      %mul3A_137 = vector.broadcast %mul3A_136 : f32 to vector<16xf32>
      %mul3A_138 = arith.mulf %get3A_135, %mul3A_137 : vector<16xf32>
      %add3A_139 = arith.constant 256 : i32
      %add3A_140 = arith.addi %add3A_139, %scan3A_115 : i32
      %swap3A_141 = arith.index_cast %add3A_140 : i32 to index
      %swap3A_142 = arith.constant 16 : index
      %swap3A_143 = tpu.vector_load %arg6[%swap3A_141, %swap3A_142] {strides = array<i32>} : memref<512x128xf32, #tpu.memory_space<vmem>>, vector<1x16xf32>,
      %swap3A_144 = vector.shape_cast %swap3A_143 : vector<1x16xf32> to vector<16xf32>
      %swap3A_145 = vector.shape_cast %mul3A_138 : vector<16xf32> to vector<1x16xf32>
      tpu.vector_store %arg6[%swap3A_141, %swap3A_142], %swap3A_145 {strides = array<i32>} : memref<512x128xf32, #tpu.memory_space<vmem>>, vector<1x16xf32>,
      %add3A_146 = arith.constant 256 : i32
      %add3A_147 = arith.addi %add3A_146, %scan3A_115 : i32
      %get3A_148 = arith.index_cast %add3A_147 : i32 to index
      %get3A_149 = arith.constant 32 : index
      %get3A_150 = tpu.vector_load %arg6[%get3A_148, %get3A_149] {strides = array<i32>} : memref<512x128xf32, #tpu.memory_space<vmem>>, vector<1x16xf32>,
      %get3A_151 = vector.shape_cast %get3A_150 : vector<1x16xf32> to vector<16xf32>
      %mul3A_152 = arith.constant 2.500000e-01 : f32
      %mul3A_153 = vector.broadcast %mul3A_152 : f32 to vector<16xf32>
      %mul3A_154 = arith.mulf %get3A_151, %mul3A_153 : vector<16xf32>
      %add3A_155 = arith.constant 256 : i32
      %add3A_156 = arith.addi %add3A_155, %scan3A_115 : i32
      %swap3A_157 = arith.index_cast %add3A_156 : i32 to index
      %swap3A_158 = arith.constant 32 : index
      %swap3A_159 = tpu.vector_load %arg6[%swap3A_157, %swap3A_158] {strides = array<i32>} : memref<512x128xf32, #tpu.memory_space<vmem>>, vector<1x16xf32>,
      %swap3A_160 = vector.shape_cast %swap3A_159 : vector<1x16xf32> to vector<16xf32>
      %swap3A_161 = vector.shape_cast %mul3A_154 : vector<16xf32> to vector<1x16xf32>
      tpu.vector_store %arg6[%swap3A_157, %swap3A_158], %swap3A_161 {strides = array<i32>} : memref<512x128xf32, #tpu.memory_space<vmem>>, vector<1x16xf32>,
      %add3A_162 = arith.constant 256 : i32
      %add3A_163 = arith.addi %add3A_162, %scan3A_115 : i32
      %get3A_164 = arith.index_cast %add3A_163 : i32 to index
      %get3A_165 = arith.constant 48 : index
      %get3A_166 = tpu.vector_load %arg6[%get3A_164, %get3A_165] {strides = array<i32>} : memref<512x128xf32, #tpu.memory_space<vmem>>, vector<1x16xf32>,
      %get3A_167 = vector.shape_cast %get3A_166 : vector<1x16xf32> to vector<16xf32>
      %mul3A_168 = arith.constant 2.500000e-01 : f32
      %mul3A_169 = vector.broadcast %mul3A_168 : f32 to vector<16xf32>
      %mul3A_170 = arith.mulf %get3A_167, %mul3A_169 : vector<16xf32>
      %add3A_171 = arith.constant 256 : i32
      %add3A_172 = arith.addi %add3A_171, %scan3A_115 : i32
      %swap3A_173 = arith.index_cast %add3A_172 : i32 to index
      %swap3A_174 = arith.constant 48 : index
      %swap3A_175 = tpu.vector_load %arg6[%swap3A_173, %swap3A_174] {strides = array<i32>} : memref<512x128xf32, #tpu.memory_space<vmem>>, vector<1x16xf32>,
      %swap3A_176 = vector.shape_cast %swap3A_175 : vector<1x16xf32> to vector<16xf32>
      %swap3A_177 = vector.shape_cast %mul3A_170 : vector<16xf32> to vector<1x16xf32>
      tpu.vector_store %arg6[%swap3A_173, %swap3A_174], %swap3A_177 {strides = array<i32>} : memref<512x128xf32, #tpu.memory_space<vmem>>, vector<1x16xf32>,
    }
    %scan3A_98 = arith.constant 128 : i32
    %dma_wait3A_99 = arith.constant 3 : i32
    %dma_wait3A_100 = arith.constant 384 : i32
    %dma_wait3A_101 = arith.constant 0 : i32
    %dma_wait3A_102 = tpu.memref_slice %arg6[%dma_wait3A_100, %dma_wait3A_101] : memref<512x128xf32, #tpu.memory_space<vmem>> -> memref<128x128xf32, #tpu.memory_space<vmem>>
    %dma_wait3A_103 = arith.constant 0 : i32
    %dma_wait3A_104 = tpu.memref_slice %arg5[%dma_wait3A_99, %dma_wait3A_103] : memref<4x128xi32, #tpu.memory_space<vmem>> -> memref<1x128xi32, #tpu.memory_space<vmem>>
    %dma_wait3A_105 = tpu.memref_squeeze %dma_wait3A_104 : memref<1x128xi32, #tpu.memory_space<vmem>> -> memref<128xi32, #tpu.memory_space<vmem>>
    %dma_wait3A_106 = arith.constant 0 : i32
    %dma_wait3A_107 = arith.constant 0 : i32
    %dma_wait3A_108 = tpu.memref_slice %arg3[%dma_wait3A_106, %dma_wait3A_107] : memref<100000x128xf32, #tpu.memory_space<hbm>> -> memref<100000x128xf32, #tpu.memory_space<hbm>>
    tpu.wait_indirect_dma semaphore(%arg7 : memref<!tpu.dma_semaphore, #tpu.memory_space<semaphore_mem>>) src(%dma_wait3A_108 : memref<100000x128xf32, #tpu.memory_space<hbm>>) dst(%dma_wait3A_102 : memref<128x128xf32, #tpu.memory_space<vmem>>)
    %scan3A_109 = arith.constant 0 : i32
    %scan3A_110 = arith.constant 0 : i32
    %scan3A_111 = arith.constant 128 : i32
    %scan3A_112 = arith.addi %scan3A_110, %scan3A_111 : i32
    %scan3A_113 = arith.constant 1 : i32
    scf.for %scan3A_115 = %scan3A_110 to %scan3A_112 step %scan3A_113  : i32 {
      %add3A_116 = arith.constant 384 : i32
      %add3A_117 = arith.addi %add3A_116, %scan3A_115 : i32
      %get3A = arith.index_cast %add3A_117 : i32 to index
      %get3A_118 = arith.constant 0 : index
      %get3A_119 = tpu.vector_load %arg6[%get3A, %get3A_118] {strides = array<i32>} : memref<512x128xf32, #tpu.memory_space<vmem>>, vector<1x16xf32>,
      %get3A_120 = vector.shape_cast %get3A_119 : vector<1x16xf32> to vector<16xf32>
      %mul3A_121 = arith.constant 2.500000e-01 : f32
      %mul3A_122 = vector.broadcast %mul3A_121 : f32 to vector<16xf32>
      %mul3A_123 = arith.mulf %get3A_120, %mul3A_122 : vector<16xf32>
      %add3A_124 = arith.constant 384 : i32
      %add3A_125 = arith.addi %add3A_124, %scan3A_115 : i32
      %swap3A = arith.index_cast %add3A_125 : i32 to index
      %swap3A_126 = arith.constant 0 : index
      %swap3A_127 = tpu.vector_load %arg6[%swap3A, %swap3A_126] {strides = array<i32>} : memref<512x128xf32, #tpu.memory_space<vmem>>, vector<1x16xf32>,
      %swap3A_128 = vector.shape_cast %swap3A_127 : vector<1x16xf32> to vector<16xf32>
      %swap3A_129 = vector.shape_cast %mul3A_123 : vector<16xf32> to vector<1x16xf32>
      tpu.vector_store %arg6[%swap3A, %swap3A_126], %swap3A_129 {strides = array<i32>} : memref<512x128xf32, #tpu.memory_space<vmem>>, vector<1x16xf32>,
      %add3A_130 = arith.constant 384 : i32
      %add3A_131 = arith.addi %add3A_130, %scan3A_115 : i32
      %get3A_132 = arith.index_cast %add3A_131 : i32 to index
      %get3A_133 = arith.constant 16 : index
      %get3A_134 = tpu.vector_load %arg6[%get3A_132, %get3A_133] {strides = array<i32>} : memref<512x128xf32, #tpu.memory_space<vmem>>, vector<1x16xf32>,
      %get3A_135 = vector.shape_cast %get3A_134 : vector<1x16xf32> to vector<16xf32>
      %mul3A_136 = arith.constant 2.500000e-01 : f32
      %mul3A_137 = vector.broadcast %mul3A_136 : f32 to vector<16xf32>
      %mul3A_138 = arith.mulf %get3A_135, %mul3A_137 : vector<16xf32>
      %add3A_139 = arith.constant 384 : i32
      %add3A_140 = arith.addi %add3A_139, %scan3A_115 : i32
      %swap3A_141 = arith.index_cast %add3A_140 : i32 to index
      %swap3A_142 = arith.constant 16 : index
      %swap3A_143 = tpu.vector_load %arg6[%swap3A_141, %swap3A_142] {strides = array<i32>} : memref<512x128xf32, #tpu.memory_space<vmem>>, vector<1x16xf32>,
      %swap3A_144 = vector.shape_cast %swap3A_143 : vector<1x16xf32> to vector<16xf32>
      %swap3A_145 = vector.shape_cast %mul3A_138 : vector<16xf32> to vector<1x16xf32>
      tpu.vector_store %arg6[%swap3A_141, %swap3A_142], %swap3A_145 {strides = array<i32>} : memref<512x128xf32, #tpu.memory_space<vmem>>, vector<1x16xf32>,
      %add3A_146 = arith.constant 384 : i32
      %add3A_147 = arith.addi %add3A_146, %scan3A_115 : i32
      %get3A_148 = arith.index_cast %add3A_147 : i32 to index
      %get3A_149 = arith.constant 32 : index
      %get3A_150 = tpu.vector_load %arg6[%get3A_148, %get3A_149] {strides = array<i32>} : memref<512x128xf32, #tpu.memory_space<vmem>>, vector<1x16xf32>,
      %get3A_151 = vector.shape_cast %get3A_150 : vector<1x16xf32> to vector<16xf32>
      %mul3A_152 = arith.constant 2.500000e-01 : f32
      %mul3A_153 = vector.broadcast %mul3A_152 : f32 to vector<16xf32>
      %mul3A_154 = arith.mulf %get3A_151, %mul3A_153 : vector<16xf32>
      %add3A_155 = arith.constant 384 : i32
      %add3A_156 = arith.addi %add3A_155, %scan3A_115 : i32
      %swap3A_157 = arith.index_cast %add3A_156 : i32 to index
      %swap3A_158 = arith.constant 32 : index
      %swap3A_159 = tpu.vector_load %arg6[%swap3A_157, %swap3A_158] {strides = array<i32>} : memref<512x128xf32, #tpu.memory_space<vmem>>, vector<1x16xf32>,
      %swap3A_160 = vector.shape_cast %swap3A_159 : vector<1x16xf32> to vector<16xf32>
      %swap3A_161 = vector.shape_cast %mul3A_154 : vector<16xf32> to vector<1x16xf32>
      tpu.vector_store %arg6[%swap3A_157, %swap3A_158], %swap3A_161 {strides = array<i32>} : memref<512x128xf32, #tpu.memory_space<vmem>>, vector<1x16xf32>,
      %add3A_162 = arith.constant 384 : i32
      %add3A_163 = arith.addi %add3A_162, %scan3A_115 : i32
      %get3A_164 = arith.index_cast %add3A_163 : i32 to index
      %get3A_165 = arith.constant 48 : index
      %get3A_166 = tpu.vector_load %arg6[%get3A_164, %get3A_165] {strides = array<i32>} : memref<512x128xf32, #tpu.memory_space<vmem>>, vector<1x16xf32>,
      %get3A_167 = vector.shape_cast %get3A_166 : vector<1x16xf32> to vector<16xf32>
      %mul3A_168 = arith.constant 2.500000e-01 : f32
      %mul3A_169 = vector.broadcast %mul3A_168 : f32 to vector<16xf32>
      %mul3A_170 = arith.mulf %get3A_167, %mul3A_169 : vector<16xf32>
      %add3A_171 = arith.constant 384 : i32
      %add3A_172 = arith.addi %add3A_171, %scan3A_115 : i32
      %swap3A_173 = arith.index_cast %add3A_172 : i32 to index
      %swap3A_174 = arith.constant 48 : index
      %swap3A_175 = tpu.vector_load %arg6[%swap3A_173, %swap3A_174] {strides = array<i32>} : memref<512x128xf32, #tpu.memory_space<vmem>>, vector<1x16xf32>,
      %swap3A_176 = vector.shape_cast %swap3A_175 : vector<1x16xf32> to vector<16xf32>
      %swap3A_177 = vector.shape_cast %mul3A_170 : vector<16xf32> to vector<1x16xf32>
      tpu.vector_store %arg6[%swap3A_173, %swap3A_174], %swap3A_177 {strides = array<i32>} : memref<512x128xf32, #tpu.memory_space<vmem>>, vector<1x16xf32>,
    }
    %scan3A_114 = arith.constant 128 : i32
    "tpu.region"() ({
      %run_scoped3A_115 = tpu.sem_alloc : memref<!tpu.dma_semaphore, #tpu.memory_space<semaphore_mem>>
      %dma_start3A_116 = arith.constant 0 : i32
      %dma_start3A_117 = tpu.memref_slice %arg4[%mul3A_2, %dma_start3A_116] : memref<16384x128xf32, #tpu.memory_space<hbm>> -> memref<512x128xf32, #tpu.memory_space<hbm>>
      %dma_start3A_118 = arith.constant 0 : i32
      %dma_start3A_119 = tpu.memref_slice %arg4[%mul3A_2, %dma_start3A_118] : memref<16384x128xf32, #tpu.memory_space<hbm>> -> memref<512x128xf32, #tpu.memory_space<hbm>>
      tpu.enqueue_dma source(%arg6 : memref<512x128xf32, #tpu.memory_space<vmem>>) target(%dma_start3A_119 : memref<512x128xf32, #tpu.memory_space<hbm>>) target_semaphore(%run_scoped3A_115 : memref<!tpu.dma_semaphore, #tpu.memory_space<semaphore_mem>>)
      %dma_wait3A_120 = arith.constant 0 : i32
      %dma_wait3A_121 = tpu.memref_slice %arg4[%mul3A_2, %dma_wait3A_120] : memref<16384x128xf32, #tpu.memory_space<hbm>> -> memref<512x128xf32, #tpu.memory_space<hbm>>
      %dma_wait3A_122 = arith.constant 0 : i32
      %dma_wait3A_123 = tpu.memref_slice %arg4[%mul3A_2, %dma_wait3A_122] : memref<16384x128xf32, #tpu.memory_space<hbm>> -> memref<512x128xf32, #tpu.memory_space<hbm>>
      tpu.wait_dma2 semaphore(%run_scoped3A_115 : memref<!tpu.dma_semaphore, #tpu.memory_space<semaphore_mem>>) src(%arg6 : memref<512x128xf32, #tpu.memory_space<vmem>>) dst(%dma_wait3A_123 : memref<512x128xf32, #tpu.memory_space<hbm>>)
      tpu.yield
    }) : () -> ()
    return
  }
}

</mosaic_0001>

<sc_bundles>
// kernel: kernel.4.cloned.1.call-start
scs
__scs_entry_jumppad:
0x0: {  	(pc) =	sbr.rel $0x88, $3  }
0x1: {  	(tag) =	ssettag $0x0;
	lr =	simm.s32 $0x1  }
0x2: {  	[smem:$0x3F9D] =	sst lr;
	_ =	strace $0xD0000000  }
0x3: {  	_ = 	snop  }
0x4: {  	_ = 	snop  }
0x5: {  	_ = 	snop  }
0x6: {  	_ = 	snop  }
0x7: {  	_ = 	snop  }
__scs_overlays_trampoline_lowered:
0x8: {  	[smem:$0x3FAC] =	sst s0  }
0x9: {  	[smem:$0x3FAD] =	sst s1  }
0xa: {  	[smem:$0x3FAE] =	sst s2  }
0xb: {  	[smem:$0x3FAF] =	sst s3  }
0xc: {  	[smem:$0x3FB0] =	sst s4  }
0xd: {  	[smem:$0x3FB1] =	sst s5  }
0xe: {  	[smem:$0x3FB2] =	sst s6  }
0xf: {  	[smem:$0x3FB3] =	sst s7  }
0x10: {  	[smem:$0x3FB4] =	sst s8  }
0x11: {  	[smem:$0x3FB5] =	sst s9;
	s0 =	simm.s32 @!p0 $0x0  }
0x12: {  	s1 =	sld [smem:$0x3F9B];
	s0 =	simm.s32 @p0 $0x1  }
0x13: {  	[smem:$0x3FB6] =	sst s0;
	s0 =	simm.s32 @!p1 $0x0  }
0x14: {  	s2 =	sld [smem:$0x3F9A];
	s0 =	simm.s32 @p1 $0x1  }
0x15: {  	[smem:$0x3FB7] =	sst s0;
	s0 =	simm.s32 @!p2 $0x0  }
0x16: {  	s3 =	sld [smem:$0x3FDB];
	s0 =	simm.s32 @p2 $0x1  }
0x17: {  	s4 =	simm.s32 $0x1BF5;
	[smem:$0x3FB9] =	sst s0  }
0x18: {  	s0 =	sld [smem:$0x3F9C];
	_ =	swait.ge [sflag:s4], $0x0  }
0x19: {  	s7 =	sld [smem:$0x3F9D]  }
0x1a: {  	s8 =	sadd.s32 $0xFFFFE003, lr  }
0x1b: {  	s9 =	sadd.s32 $0xFFFFFEF7, lr;
	s5 =	simm.s32 $0xFFFFFFFF;
	p2 =	slt.u32 s8, $0xFFFFF086  }
0x1c: {  	p1 =	slt.u32 s9, $0xF7A;
	s5 =	simm.s32 @!p2 $0x0  }
0x1d: {  	s5 =	simm.s32 @p1 $0x1;
	p0 =	seq.s32 s7, s2  }
0x1e: {  	s7 =	smul.u32 @!p0 $0xF7A, s2;
	p2 =	seq.s32 @!p0 s5, $0x0  }
0x1f: {  	s9 =	smul.u32 $0xF7A, s1;
	s8 =	simm.s32 @!p0 $0x1BF5;
	p2 =	por !p2, p0  }
0x20: {  	[sflag:s8] =	ssyncset.s32 @!p0 $0xFFFFF086;
	s6 =	sadd.s32 @!p0 s3, s7;
	s7 =	simm.s32 @!p0 $0x108  }
0x21: {  	s3 =	sadd.s32 s3, s9;
	s6 =	sadd.s32 @!p0 $0x88, s6;
	s7 =	simm.s32 @p2 $0x1082  }
0x22: {  	[simem:s7], [sflag:s8] =	dma.local @!p0 [hbm:s6], $0xF7A  }
0x23: {  	s9 =	sor.u32 $0xD0000000, s2;
	s6 =	simm.s32 $0x108;
	_ =	swait.ge @!p0 [sflag:s8], $0x0  }
0x24: {  	s3 =	sadd.s32 $0x88, s3;
	s6 =	simm.s32 @!p1 $0x1082;
	[sflag:s4] =	ssyncset.s32 $0xFFFFF086  }
0x25: {  	[simem:s6], [sflag:s4] =	dma.local [hbm:s3], $0xF7A  }
0x26: {  	[smem:$0x3F9D] =	sst s1;
	(tag) =	ssettag s2;
	_ =	strace s9  }
0x27: {  	s1 =	sld [smem:$0x3FAD]  }
0x28: {  	s2 =	sld [smem:$0x3FAE]  }
0x29: {  	s4 =	sld [smem:$0x3FB0]  }
0x2a: {  	p0 =	seq.s32 s5, $0x0;
	s5 =	sld [smem:$0x3FB1]  }
0x2b: {  	s6 =	sld [smem:$0x3FB2]  }
0x2c: {  	s7 =	sld [smem:$0x3FB3]  }
0x2d: {  	s3 =	simm.s32 $0x108;
	s8 =	sld [smem:$0x3FB4]  }
0x2e: {  	s3 =	simm.s32 @!p0 $0x1082;
	s9 =	sld [smem:$0x3FB5]  }
0x2f: {  	lr =	sadd.s32 s0, s3;
	s0 =	sld [smem:$0x3FAC]  }
0x30: {  	s3 =	sld [smem:$0x3FAF]  }
0x31: {  	[smem:$0x3FB8] =	sst s10  }
0x32: {  	s10 =	sld [smem:$0x3FB6];
	_ =	sdelay $0x3  }
0x33: {  	p0 =	seq.s32 s10, $0x1;
	s10 =	sld [smem:$0x3FB8];
	_ =	sdelay $0x3  }
0x34: {  	[smem:$0x3FB8] =	sst s10  }
0x35: {  	s10 =	sld [smem:$0x3FB7];
	_ =	sdelay $0x3  }
0x36: {  	p1 =	seq.s32 s10, $0x1;
	s10 =	sld [smem:$0x3FB8];
	_ =	sdelay $0x3  }
0x37: {  	[smem:$0x3FB8] =	sst s10  }
0x38: {  	s10 =	sld [smem:$0x3FB9]  }
0x39: {  	_ = 	snop;
	(pc) =	sbr.ind lr, $3  }
0x3a: {  	_ = 	snop  }
0x3b: {  	_ = 	snop  }
0x3c: {  	p2 =	seq.s32 s10, $0x1;
	s10 =	sld [smem:$0x3FB8]  }
0x3d: {  	_ =	shalt  }
0x3e: {  	_ =	shalt  }
0x3f: {  	_ =	shalt  }
0x40: {  	_ =	shalt  }
0x41: {  	_ =	shalt  }
0x42: {  	_ =	shalt  }
0x43: {  	_ =	shalt  }
0x44: {  	_ =	shalt  }
0x45: {  	_ =	shalt  }
0x46: {  	_ =	shalt  }
0x47: {  	_ =	shalt  }
0x48: {  	_ =	shalt  }
0x49: {  	_ =	shalt  }
0x4a: {  	_ =	shalt  }
0x4b: {  	_ =	shalt  }
0x4c: {  	_ =	shalt  }
0x4d: {  	_ =	shalt  }
0x4e: {  	_ =	shalt  }
0x4f: {  	_ =	shalt  }
0x50: {  	_ =	shalt  }
0x51: {  	_ =	shalt  }
0x52: {  	_ =	shalt  }
0x53: {  	_ =	shalt  }
0x54: {  	_ =	shalt  }
0x55: {  	_ =	shalt  }
0x56: {  	_ =	shalt  }
0x57: {  	_ =	shalt  }
0x58: {  	_ =	shalt  }
0x59: {  	_ =	shalt  }
0x5a: {  	_ =	shalt  }
0x5b: {  	_ =	shalt  }
0x5c: {  	_ =	shalt  }
0x5d: {  	_ =	shalt  }
0x5e: {  	_ =	shalt  }
0x5f: {  	_ =	shalt  }
0x60: {  	_ =	shalt  }
0x61: {  	_ =	shalt  }
0x62: {  	_ =	shalt  }
0x63: {  	_ =	shalt  }
0x64: {  	_ =	shalt  }
0x65: {  	_ =	shalt  }
0x66: {  	_ =	shalt  }
0x67: {  	_ =	shalt  }
0x68: {  	_ =	shalt  }
0x69: {  	_ =	shalt  }
0x6a: {  	_ =	shalt  }
0x6b: {  	_ =	shalt  }
0x6c: {  	_ =	shalt  }
0x6d: {  	_ =	shalt  }
0x6e: {  	_ =	shalt  }
0x6f: {  	_ =	shalt  }
0x70: {  	_ =	shalt  }
0x71: {  	_ =	shalt  }
0x72: {  	_ =	shalt  }
0x73: {  	_ =	shalt  }
0x74: {  	_ =	shalt  }
0x75: {  	_ =	shalt  }
0x76: {  	_ =	shalt  }
0x77: {  	_ =	shalt  }
0x78: {  	_ =	shalt  }
0x79: {  	_ =	shalt  }
0x7a: {  	_ =	shalt  }
0x7b: {  	_ =	shalt  }
0x7c: {  	_ =	shalt  }
0x7d: {  	_ =	shalt  }
0x7e: {  	_ =	shalt  }
0x7f: {  	_ =	shalt  }
0x80: {  	_ =	shalt  }
0x81: {  	_ =	shalt  }
0x82: {  	_ =	shalt  }
0x83: {  	_ =	shalt  }
0x84: {  	_ =	shalt  }
0x85: {  	_ =	shalt  }
0x86: {  	_ =	shalt  }
0x87: {  	_ =	shalt  }
.Lfunc_end0:
.L_simem_size_0:
called_computation_lowered:
.L_overlay_start_0:
0x88: {  	s2 =	sld [smem:$0x3FD9]  }
0x89: {  	s3 =	sld [smem:$0x3FFE];
	_ =	sdelay $0x1  }
0x8a: {  	s1 =	srdreg.scid  }
0x8b: {  	s0 =	sand.u32 $0x1, s1  }
0x8c: {  	s17 =	sshll.u32 s0, $0xA;
	s2 =	sadd.s32 s3, s2  }
0x8d: {  	s2 =	sadd.s32 s2, s17  }
0x8e: {  	[smem:$0x3FC4] =	sst s2  }
0x8f: {  	_ = 	snop  }
0x90: {  	s2 =	sld [smem:$0x3FC9];
	(tm) =	ssettm $0x1  }
0x91: {  	s18 =	sld [smem:$0x3FFB];
	_ =	sdelay $0x3  }
0x92: {  	_ =	strace s18  }
0x93: {  	s3 =	sld [smem:$0x3FFC];
	_ =	sdelay $0x3  }
0x94: {  	_ =	strace s3  }
0x95: {  	s3 =	sld [smem:$0x3FFD];
	_ =	sdelay $0x3  }
0x96: {  	_ =	strace s3  }
0x97: {  	_ =	strace $0x8FFFFFFF  }
0x98: {  	s19 =	sld [smem:$0x3FDB];
	_ =	sdelay $0x1  }
0x99: {  	s4 =	simm.s32 $_scs_section_size  }
0x9a: {  	s5 =	simm.s32 $_size__tile_overlayer_lowered;
	s6 =	simm.s32 $_tile_overlayer_lowered  }
0x9b: {  	s22 =	simm.s32 $0x1BFF;
	s21 =	sshll.u32 s6, $0x1;
	s3 =	sadd.s32 s4, s19  }
0x9c: {  	s7 =	simm.s32 $0x0;
	s20 =	sshll.u32 s5, $0x1;
	s5 =	sadd.s32 s21, s3  }
0x9d: {  	[timem:s7], [sflag:s22] =	dma.local [hbm:s5], s20  }
0x9e: {  	_ =	swait.ge [sflag:s22], s20  }
0x9f: {  	s4 =	ssub.s32 $0x0, s20;
	[sflag:s22] =	ssyncset.done $0x0  }
0xa0: {  	[sflag:s22] =	ssyncadd.s32 s4;
	_ =	sdelay $0x1  }
0xa1: {  	s23 =	simm.s32 $0x1B8B  }
0xa2: {  	_ =	swait.ge [sflag:s23], $0x1  }
0xa3: {  	[sflag:s23] =	ssyncset.done $0x0  }
0xa4: {  	s25 =	simm.s32 $0x1B8E;
	s24 =	sld [smem:$0x3FFE];
	[sflag:s23] =	ssyncadd.s32 $0xFFFFFFFF  }
0xa5: {  	s26 =	simm.s32 $execute0_lowered;
	[smem:$0x3FD2] =	sst s25  }
0xa6: {  	s5 =	sshll.u32 s26, $0x1;
	_ =	strace $0x80000046;
	[dreg:$0x1] =	wrdreg $0xFFFFFFFF  }
0xa7: {  	s28 =	simm.s32 $_size_execute0_lowered;
	s3 =	sadd.s32 s3, s5;
	[dreg:$0x0] =	wrdreg $0x0  }
0xa8: {  	s5 =	sshll.u32 s28, $0x1;
	[dreg:$0x2] =	wrdreg s3  }
0xa9: {  	[dreg:$0x3] =	wrdreg s5  }
0xaa: {  	[dreg:$0x4] =	wrdreg $0xC0  }
0xab: {  	_ =	task [dreg:s7], $0x5FFFF  }
0xac: {  	[dreg:$0x1] =	wrdreg $0xFFFFFFFF  }
0xad: {  	[dreg:$0x0] =	wrdreg $0x60  }
0xae: {  	[dreg:$0x2] =	wrdreg s2  }
0xaf: {  	[dreg:$0x3] =	wrdreg s24  }
0xb0: {  	[dreg:$0x4] =	wrdreg $0x9  }
0xb1: {  	_ =	task.clear_ibuf [dreg:s7], $0x5FFFF;
	_ =	strace $0x90000046  }
0xb2: {  	s29 =	simm.s32 $0x9;
	_ =	strace $0x80000048  }
0xb3: {  	_ =	swait.ge [sflag:s29], $0x1  }
0xb4: {  	[sflag:s29] =	ssyncadd.s32 $0xFFFFFFFF  }
0xb5: {  	_ =	strace $0x90000048  }
0xb6: {  	_ =	sfence  }
0xb7: {  	s30 =	sld [smem:$0x0];
	_ =	sdelay $0x2  }
0xb8: {  	s31 =	sshll.u32 s1, $0xD;
	s1 =	sshrl.u32 s1, $0x2  }
0xb9: {  	s3 =	sand.u32 $0x4000, s31;
	s1 =	sadd.s32 s1, s30  }
0xba: {  	s0 =	sor.u32 s3, s0;
	s1 =	sshll.u32 s1, $0x11  }
0xbb: {  	s0 =	sor.u32 s1, s0  }
0xbc: {  	s0 =	sadd.s32 $0x8F2B, s0  }
0xbd: {  	[sflag:s0] =	ssyncadd.remote.s32 $0x1  }
0xbe: {  	_ =	sfence.sel $0xFFFF  }
0xbf: {  	[dreg:$0x0] =	wrdreg $0xFFFFFFFF;
	(pc) =	sbr.abs _section_cstart, $3  }
0xc0: {  	[dreg:$0x1] =	wrdreg $0xFFFFFFFF  }
0xc1: {  	_ =	task.clear_ibuf [dreg:s7], $0x2FFFF;
	_ =	strace $0x9FFFFFFF  }
0xc2: {  	(tm) =	ssettm $0x7FFFFFFF  }
0xc3: {  	_ =	shalt  }
tec
execute0_lowered:
.L_overlay_start_1:
0x0: {  	(tag) =	ssettag $0x1  }
0x1: {  	s4 =	rddreg [dreg:$0x0]  }
0x2: {  	s5 =	rddreg [dreg:$0x1]  }
0x3: {  	s0 =	rddreg [dreg:$0x2];
	s2 =	simm.s32 $0x0;
	s3 =	srdreg.scid  }
0x4: {  	s1 =	stileid.u32;
	s10 =	simm.s32 $0x2;
	s11 =	simm.s32 $0x80  }
0x5: {  	s12 =	simm.s32 $0x100;
	s13 =	simm.s32 $0x180;
	s14 =	simm.s32 $0x200  }
0x6: {  	s15 =	simm.s32 $0x4200;
	s16 =	simm.s32 $0x8200;
	s17 =	simm.s32 $0xC200  }
0x7: {  	s18 =	simm.s32 $0x1;
	s19 =	simm.s32 $0x0;
	s6 =	sand.u32 $0x1, s3  }
0x8: {  	[smem:$0x7FF] =	sst s2;
	s7 =	sshll.u32 s1, $0xA;
	s8 =	sshll.u32 s6, $0x9  }
0x9: {  	s3 =	sadd.s32 $0x188E00, s5;
	s6 =	ssub.s32 $0x2, s6;
	s7 =	sor.u32 s8, s7  }
0xa: {  	s9 =	sshrl.u32 s6, $0x1;
	s8 =	sshll.u32 s7, $0x4;
	s7 =	sshrl.u32 s7, $0x3  }
0xb: {  	_ =	strace $0x80000047;
	s9 =	ssub.s32 s6, s9;
	s4 =	sadd.s32 s4, s7  }
0xc: {  	s8 =	sadd.s32 s8, s5;
	s9 =	smax.u32 s9, $0x1;
	s5 =	sadd.s32 $0x10, s4  }
0xd: {  	s6 =	sadd.s32 $0x20, s4;
	s7 =	sadd.s32 $0x30, s4;
	s8 =	sadd.s32 $0x2400, s8  }
.LBB2_1:
0xe: {  	[tilespmem:s2], [sflag:$0x2] =	stream.linear.gather [hbm4b:s4+s2], $0x80, $0x38;
	[tilespmem:$0x10200] =	vst v63  }
0xf: {  	_ =	swait.ge [sflag:s10], $0x80  }
0x10: {  	[sflag:s10] =	ssyncset.done $0x0  }
0x11: {  	[sflag:s10] =	ssyncadd.s32 $0xFFFFFF80  }
0x12: {  	[tilespmem:s11], [sflag:$0x2] =	stream.linear.gather [hbm4b:s5+s2], $0x80, $0x38;
	[tilespmem:$0x10200] =	vst v63  }
0x13: {  	_ =	swait.ge [sflag:s10], $0x80  }
0x14: {  	[sflag:s10] =	ssyncset.done $0x0  }
0x15: {  	[sflag:s10] =	ssyncadd.s32 $0xFFFFFF80  }
0x16: {  	[tilespmem:s12], [sflag:$0x2] =	stream.linear.gather [hbm4b:s6+s2], $0x80, $0x38;
	[tilespmem:$0x10200] =	vst v63  }
0x17: {  	_ =	swait.ge [sflag:s10], $0x80  }
0x18: {  	[sflag:s10] =	ssyncset.done $0x0  }
0x19: {  	[sflag:s10] =	ssyncadd.s32 $0xFFFFFF80  }
0x1a: {  	[tilespmem:s13], [sflag:$0x2] =	stream.linear.gather [hbm4b:s7+s2], $0x80, $0x38;
	[tilespmem:$0x10200] =	vst v63  }
0x1b: {  	_ =	swait.ge [sflag:s10], $0x80  }
0x1c: {  	[sflag:s10] =	ssyncset.done $0x0  }
0x1d: {  	[sflag:s10] =	ssyncadd.s32 $0xFFFFFF80  }
0x1e: {  	[tilespmem:s14], [sflag:$0x1] =	stream.indirect.gather [hbm4b:s3+s11], $0x80, s2, s11, $0xb8;
	[tilespmem:$0x10200] =	vst v63  }
0x1f: {  	_ = 	snop  }
0x20: {  	[tilespmem:s15], [sflag:$0x1] =	stream.indirect.gather [hbm4b:s3+s11], $0x80, s11, s11, $0xb8;
	[tilespmem:$0x10200] =	vst v63  }
0x21: {  	_ = 	snop  }
0x22: {  	[tilespmem:s16], [sflag:$0x1] =	stream.indirect.gather [hbm4b:s3+s11], $0x80, s12, s11, $0xb8;
	[tilespmem:$0x10200] =	vst v63  }
0x23: {  	_ = 	snop  }
0x24: {  	[tilespmem:s17], [sflag:$0x1] =	stream.indirect.gather [hbm4b:s3+s11], $0x80, s13, s11, $0xb8;
	[tilespmem:$0x10200] =	vst v63  }
0x25: {  	_ =	swait.ge [sflag:s18], $0x4000  }
0x26: {  	[sflag:s18] =	ssyncset.done $0x0  }
0x27: {  	s20 =	simm.s32 $0x0;
	[sflag:s18] =	ssyncadd.s32 $0xFFFFC000  }
0x28: {  	v0 =	vld [tilespmem:s20+$0x200]  }
0x29: {  	v2 =	vld [tilespmem:s20+$0x210]  }
0x2a: {  	s21 =	simm.s32 $0x200;
	v1 =	vld [tilespmem:s20+$0x220]  }
.LBB2_2:
0x2b: {  	p0 =	sne.s32 s21, $0xFE00;
	v3 =	vld [tilespmem:s20+$0x230];
	_ =	sdelay $0x1  }
0x2c: {  	v0 =	vmul.f32 $2.500000000e-01, v0  }
.Ltmp0:
0x2d: {  	v2 =	vmul.f32 $2.500000000e-01, v2;
	(pc) =	sbr.rel @p0 .LBB2_2-.Ltmp0, $4  }
0x2e: {  	s22 =	sshra.s32 s21, $0x2;
	[tilespmem:s20+$0x200] =	vst v0;
	v1 =	vmul.f32 $2.500000000e-01, v1  }
0x2f: {  	v0 =	vld [tilespmem:s22+$0x200];
	[tilespmem:s20+$0x210] =	vst v2;
	v3 =	vmul.f32 $2.500000000e-01, v3  }
0x30: {  	v2 =	vld [tilespmem:s22+$0x210];
	[tilespmem:s20+$0x220] =	vst v1  }
0x31: {  	s21 =	sadd.s32 $0x200, s21;
	v1 =	vld [tilespmem:s22+$0x220];
	[tilespmem:s20+$0x230] =	vst v3;
	s20 =	smov.u32 s22  }
0x32: {  	v3 =	vld [tilespmem:s20+$0x230];
	_ =	sdelay $0x1  }
0x33: {  	v0 =	vmul.f32 $2.500000000e-01, v0  }
0x34: {  	v2 =	vmul.f32 $2.500000000e-01, v2  }
0x35: {  	[tilespmem:s20+$0x200] =	vst v0;
	v0 =	vmul.f32 $2.500000000e-01, v1  }
0x36: {  	[tilespmem:s20+$0x210] =	vst v2;
	v1 =	vmul.f32 $2.500000000e-01, v3  }
0x37: {  	[tilespmem:s20+$0x220] =	vst v0  }
0x38: {  	[tilespmem:s20+$0x230] =	vst v1  }
0x39: {  	_ =	swait.ge [sflag:s18], $0x4000  }
0x3a: {  	[sflag:s18] =	ssyncset.done $0x0  }
0x3b: {  	s20 =	simm.s32 $0xFFFFC000;
	[sflag:s18] =	ssyncadd.s32 $0xFFFFC000  }
0x3c: {  	v0 =	vld [tilespmem:s20+$0x8200]  }
0x3d: {  	v2 =	vld [tilespmem:s20+$0x8210]  }
0x3e: {  	s21 =	simm.s32 $0xFFFF0200;
	v1 =	vld [tilespmem:s20+$0x8220]  }
.LBB2_4:
0x3f: {  	p0 =	sne.s32 s21, $0xFFFFFE00;
	v3 =	vld [tilespmem:s20+$0x8230];
	_ =	sdelay $0x1  }
0x40: {  	v0 =	vmul.f32 $2.500000000e-01, v0  }
.Ltmp1:
0x41: {  	v2 =	vmul.f32 $2.500000000e-01, v2;
	(pc) =	sbr.rel @p0 .LBB2_4-.Ltmp1, $4  }
0x42: {  	s22 =	sshra.s32 s21, $0x2;
	[tilespmem:s20+$0x8200] =	vst v0;
	v1 =	vmul.f32 $2.500000000e-01, v1  }
0x43: {  	v0 =	vld [tilespmem:s22+$0x8200];
	[tilespmem:s20+$0x8210] =	vst v2;
	v3 =	vmul.f32 $2.500000000e-01, v3  }
0x44: {  	v2 =	vld [tilespmem:s22+$0x8210];
	[tilespmem:s20+$0x8220] =	vst v1  }
0x45: {  	s21 =	sadd.s32 $0x200, s21;
	v1 =	vld [tilespmem:s22+$0x8220];
	[tilespmem:s20+$0x8230] =	vst v3;
	s20 =	smov.u32 s22  }
0x46: {  	v3 =	vld [tilespmem:s20+$0x8230];
	_ =	sdelay $0x1  }
0x47: {  	v0 =	vmul.f32 $2.500000000e-01, v0  }
0x48: {  	v2 =	vmul.f32 $2.500000000e-01, v2  }
0x49: {  	[tilespmem:s20+$0x8200] =	vst v0;
	v0 =	vmul.f32 $2.500000000e-01, v1  }
0x4a: {  	[tilespmem:s20+$0x8210] =	vst v2;
	v1 =	vmul.f32 $2.500000000e-01, v3  }
0x4b: {  	[tilespmem:s20+$0x8220] =	vst v0  }
0x4c: {  	[tilespmem:s20+$0x8230] =	vst v1  }
0x4d: {  	_ =	swait.ge [sflag:s18], $0x4000  }
0x4e: {  	[sflag:s18] =	ssyncset.done $0x0  }
0x4f: {  	s20 =	simm.s32 $0xFFFFC000;
	[sflag:s18] =	ssyncadd.s32 $0xFFFFC000  }
0x50: {  	v0 =	vld [tilespmem:s20+$0xC200]  }
0x51: {  	v2 =	vld [tilespmem:s20+$0xC210]  }
0x52: {  	s21 =	simm.s32 $0xFFFF0200;
	v1 =	vld [tilespmem:s20+$0xC220]  }
.LBB2_6:
0x53: {  	p0 =	sne.s32 s21, $0xFFFFFE00;
	v3 =	vld [tilespmem:s20+$0xC230];
	_ =	sdelay $0x1  }
0x54: {  	v0 =	vmul.f32 $2.500000000e-01, v0  }
.Ltmp2:
0x55: {  	v2 =	vmul.f32 $2.500000000e-01, v2;
	(pc) =	sbr.rel @p0 .LBB2_6-.Ltmp2, $4  }
0x56: {  	s22 =	sshra.s32 s21, $0x2;
	[tilespmem:s20+$0xC200] =	vst v0;
	v1 =	vmul.f32 $2.500000000e-01, v1  }
0x57: {  	v0 =	vld [tilespmem:s22+$0xC200];
	[tilespmem:s20+$0xC210] =	vst v2;
	v3 =	vmul.f32 $2.500000000e-01, v3  }
0x58: {  	v2 =	vld [tilespmem:s22+$0xC210];
	[tilespmem:s20+$0xC220] =	vst v1  }
0x59: {  	s21 =	sadd.s32 $0x200, s21;
	v1 =	vld [tilespmem:s22+$0xC220];
	[tilespmem:s20+$0xC230] =	vst v3;
	s20 =	smov.u32 s22  }
0x5a: {  	v3 =	vld [tilespmem:s20+$0xC230];
	_ =	sdelay $0x1  }
0x5b: {  	v0 =	vmul.f32 $2.500000000e-01, v0  }
0x5c: {  	v2 =	vmul.f32 $2.500000000e-01, v2  }
0x5d: {  	[tilespmem:s20+$0xC200] =	vst v0;
	v0 =	vmul.f32 $2.500000000e-01, v1  }
0x5e: {  	[tilespmem:s20+$0xC210] =	vst v2;
	v1 =	vmul.f32 $2.500000000e-01, v3  }
0x5f: {  	[tilespmem:s20+$0xC220] =	vst v0  }
0x60: {  	[tilespmem:s20+$0xC230] =	vst v1  }
0x61: {  	_ =	swait.ge [sflag:s18], $0x4000  }
0x62: {  	[sflag:s18] =	ssyncset.done $0x0  }
0x63: {  	s20 =	simm.s32 $0xFFFFC000;
	[sflag:s18] =	ssyncadd.s32 $0xFFFFC000  }
0x64: {  	v0 =	vld [tilespmem:s20+$0x10200]  }
0x65: {  	v2 =	vld [tilespmem:s20+$0x10210]  }
0x66: {  	s21 =	simm.s32 $0xFFFF0200;
	v1 =	vld [tilespmem:s20+$0x10220]  }
.LBB2_8:
0x67: {  	p0 =	sne.s32 s21, $0xFFFFFE00;
	v3 =	vld [tilespmem:s20+$0x10230];
	_ =	sdelay $0x1  }
0x68: {  	v0 =	vmul.f32 $2.500000000e-01, v0  }
.Ltmp3:
0x69: {  	v2 =	vmul.f32 $2.500000000e-01, v2;
	(pc) =	sbr.rel @p0 .LBB2_8-.Ltmp3, $4  }
0x6a: {  	s22 =	sshra.s32 s21, $0x2;
	[tilespmem:s20+$0x10200] =	vst v0;
	v1 =	vmul.f32 $2.500000000e-01, v1  }
0x6b: {  	v0 =	vld [tilespmem:s22+$0x10200];
	[tilespmem:s20+$0x10210] =	vst v2;
	v3 =	vmul.f32 $2.500000000e-01, v3  }
0x6c: {  	v2 =	vld [tilespmem:s22+$0x10210];
	[tilespmem:s20+$0x10220] =	vst v1  }
0x6d: {  	s21 =	sadd.s32 $0x200, s21;
	v1 =	vld [tilespmem:s22+$0x10220];
	[tilespmem:s20+$0x10230] =	vst v3;
	s20 =	smov.u32 s22  }
0x6e: {  	v3 =	vld [tilespmem:s20+$0x10230];
	_ =	sdelay $0x1  }
0x6f: {  	v0 =	vmul.f32 $2.500000000e-01, v0  }
0x70: {  	v2 =	vmul.f32 $2.500000000e-01, v2  }
0x71: {  	[tilespmem:s20+$0x10200] =	vst v0;
	v62 =	vmul.f32 $2.500000000e-01, v1  }
0x72: {  	s19 =	sadd.s32 $0x1, s19;
	[tilespmem:s20+$0x10210] =	vst v2;
	v63 =	vmul.f32 $2.500000000e-01, v3  }
0x73: {  	p0 =	sne.s32 s19, s9;
	[tilespmem:s20+$0x10220] =	vst v62  }
.Ltmp4:
0x74: {  	[tilespmem:s20+$0x10230] =	vst v63;
	(pc) =	sbr.rel @p0 .LBB2_1-.Ltmp4, $4  }
0x75: {  	[hbm4b:s8+s2] =	stream.linear.scatter [tilespmem:s14], [sflag:$0x2], $0x10000, $0x38;
	[tilespmem:$0x10200] =	vst v63  }
0x76: {  	_ =	swait.ge [sflag:s10], $0x10000  }
0x77: {  	[sflag:s10] =	ssyncset.done $0x0  }
0x78: {  	[sflag:s10] =	ssyncadd.s32 $0xFFFF0000  }
0x79: {  	_ =	sfence.sel $0x180000  }
0x7a: {  	[bflag:$0x0] =	sbarrier.arrive $0xFFFF  }
0x7b: {  	p0 =	sne.s32 s1, $0x0;
	_ =	strace $0x90000047  }
0x7c: {  	s0 =	sadd.s32 @!p0 $0x100000, s0;
	[bflag:$0x2] =	sbarrier.arrive $0xFFFF  }
0x7d: {  	[sflag:s0] =	ssyncadd.tile.s32 @!p0 $0x1;
	_ =	shalt  }
.Lfunc_end2:
_tile_overlayer_lowered:
.L_overlay_start_2:
0x7e: {  	(tag) =	ssettag $0x2  }
0x7f: {  	s0 =	rddreg [dreg:$0x0];
	s2 =	stileid.u32  }
0x80: {  	s1 =	rddreg [dreg:$0x1];
	p0 =	sne.s32 s2, $0x0  }
0x81: {  	s3 =	rddreg [dreg:$0x2];
	[bflag:$0x3] =	sbarrier.arrive $0xFFFF;
	s2 =	simm.s32 @!p0 $0x1C02  }
0x82: {  	[timem:s3], [sflag:s2] =	dma.local @!p0 [hbm:s0], s1  }
0x83: {  	s0 =	simm.s32 @!p0 $0x2  }
0x84: {  	_ =	swait.ge @!p0 [sflag:s0], s1  }
0x85: {  	s1 =	ssub.s32 @!p0 $0x0, s1;
	[sflag:s0] =	ssyncset.done @!p0 $0x0  }
0x86: {  	[sflag:s0] =	ssyncadd.s32 @!p0 s1  }
0x87: {  	[bflag:$0x3] =	sbarrier.arrive $0xFFFF  }
0x88: {  	_ =	shalt  }

// kernel: kernel.7.cloned.1.call-start
scs
__scs_entry_jumppad:
0x0: {  	(pc) =	sbr.rel $0x88, $3  }
0x1: {  	(tag) =	ssettag $0x0;
	lr =	simm.s32 $0x1  }
0x2: {  	[smem:$0x3F9D] =	sst lr;
	_ =	strace $0xD0000000  }
0x3: {  	_ = 	snop  }
0x4: {  	_ = 	snop  }
0x5: {  	_ = 	snop  }
0x6: {  	_ = 	snop  }
0x7: {  	_ = 	snop  }
__scs_overlays_trampoline_lowered:
0x8: {  	[smem:$0x3FAC] =	sst s0  }
0x9: {  	[smem:$0x3FAD] =	sst s1  }
0xa: {  	[smem:$0x3FAE] =	sst s2  }
0xb: {  	[smem:$0x3FAF] =	sst s3  }
0xc: {  	[smem:$0x3FB0] =	sst s4  }
0xd: {  	[smem:$0x3FB1] =	sst s5  }
0xe: {  	[smem:$0x3FB2] =	sst s6  }
0xf: {  	[smem:$0x3FB3] =	sst s7  }
0x10: {  	[smem:$0x3FB4] =	sst s8  }
0x11: {  	[smem:$0x3FB5] =	sst s9;
	s0 =	simm.s32 @!p0 $0x0  }
0x12: {  	s1 =	sld [smem:$0x3F9B];
	s0 =	simm.s32 @p0 $0x1  }
0x13: {  	[smem:$0x3FB6] =	sst s0;
	s0 =	simm.s32 @!p1 $0x0  }
0x14: {  	s2 =	sld [smem:$0x3F9A];
	s0 =	simm.s32 @p1 $0x1  }
0x15: {  	[smem:$0x3FB7] =	sst s0;
	s0 =	simm.s32 @!p2 $0x0  }
0x16: {  	s3 =	sld [smem:$0x3FDB];
	s0 =	simm.s32 @p2 $0x1  }
0x17: {  	s4 =	simm.s32 $0x1BF5;
	[smem:$0x3FB9] =	sst s0  }
0x18: {  	s0 =	sld [smem:$0x3F9C];
	_ =	swait.ge [sflag:s4], $0x0  }
0x19: {  	s7 =	sld [smem:$0x3F9D]  }
0x1a: {  	s8 =	sadd.s32 $0xFFFFE003, lr  }
0x1b: {  	s9 =	sadd.s32 $0xFFFFFEF7, lr;
	s5 =	simm.s32 $0xFFFFFFFF;
	p2 =	slt.u32 s8, $0xFFFFF086  }
0x1c: {  	p1 =	slt.u32 s9, $0xF7A;
	s5 =	simm.s32 @!p2 $0x0  }
0x1d: {  	s5 =	simm.s32 @p1 $0x1;
	p0 =	seq.s32 s7, s2  }
0x1e: {  	s7 =	smul.u32 @!p0 $0xF7A, s2;
	p2 =	seq.s32 @!p0 s5, $0x0  }
0x1f: {  	s9 =	smul.u32 $0xF7A, s1;
	s8 =	simm.s32 @!p0 $0x1BF5;
	p2 =	por !p2, p0  }
0x20: {  	[sflag:s8] =	ssyncset.s32 @!p0 $0xFFFFF086;
	s6 =	sadd.s32 @!p0 s3, s7;
	s7 =	simm.s32 @!p0 $0x108  }
0x21: {  	s3 =	sadd.s32 s3, s9;
	s6 =	sadd.s32 @!p0 $0x88, s6;
	s7 =	simm.s32 @p2 $0x1082  }
0x22: {  	[simem:s7], [sflag:s8] =	dma.local @!p0 [hbm:s6], $0xF7A  }
0x23: {  	s9 =	sor.u32 $0xD0000000, s2;
	s6 =	simm.s32 $0x108;
	_ =	swait.ge @!p0 [sflag:s8], $0x0  }
0x24: {  	s3 =	sadd.s32 $0x88, s3;
	s6 =	simm.s32 @!p1 $0x1082;
	[sflag:s4] =	ssyncset.s32 $0xFFFFF086  }
0x25: {  	[simem:s6], [sflag:s4] =	dma.local [hbm:s3], $0xF7A  }
0x26: {  	[smem:$0x3F9D] =	sst s1;
	(tag) =	ssettag s2;
	_ =	strace s9  }
0x27: {  	s1 =	sld [smem:$0x3FAD]  }
0x28: {  	s2 =	sld [smem:$0x3FAE]  }
0x29: {  	s4 =	sld [smem:$0x3FB0]  }
0x2a: {  	p0 =	seq.s32 s5, $0x0;
	s5 =	sld [smem:$0x3FB1]  }
0x2b: {  	s6 =	sld [smem:$0x3FB2]  }
0x2c: {  	s7 =	sld [smem:$0x3FB3]  }
0x2d: {  	s3 =	simm.s32 $0x108;
	s8 =	sld [smem:$0x3FB4]  }
0x2e: {  	s3 =	simm.s32 @!p0 $0x1082;
	s9 =	sld [smem:$0x3FB5]  }
0x2f: {  	lr =	sadd.s32 s0, s3;
	s0 =	sld [smem:$0x3FAC]  }
0x30: {  	s3 =	sld [smem:$0x3FAF]  }
0x31: {  	[smem:$0x3FB8] =	sst s10  }
0x32: {  	s10 =	sld [smem:$0x3FB6];
	_ =	sdelay $0x3  }
0x33: {  	p0 =	seq.s32 s10, $0x1;
	s10 =	sld [smem:$0x3FB8];
	_ =	sdelay $0x3  }
0x34: {  	[smem:$0x3FB8] =	sst s10  }
0x35: {  	s10 =	sld [smem:$0x3FB7];
	_ =	sdelay $0x3  }
0x36: {  	p1 =	seq.s32 s10, $0x1;
	s10 =	sld [smem:$0x3FB8];
	_ =	sdelay $0x3  }
0x37: {  	[smem:$0x3FB8] =	sst s10  }
0x38: {  	s10 =	sld [smem:$0x3FB9]  }
0x39: {  	_ = 	snop;
	(pc) =	sbr.ind lr, $3  }
0x3a: {  	_ = 	snop  }
0x3b: {  	_ = 	snop  }
0x3c: {  	p2 =	seq.s32 s10, $0x1;
	s10 =	sld [smem:$0x3FB8]  }
0x3d: {  	_ =	shalt  }
0x3e: {  	_ =	shalt  }
0x3f: {  	_ =	shalt  }
0x40: {  	_ =	shalt  }
0x41: {  	_ =	shalt  }
0x42: {  	_ =	shalt  }
0x43: {  	_ =	shalt  }
0x44: {  	_ =	shalt  }
0x45: {  	_ =	shalt  }
0x46: {  	_ =	shalt  }
0x47: {  	_ =	shalt  }
0x48: {  	_ =	shalt  }
0x49: {  	_ =	shalt  }
0x4a: {  	_ =	shalt  }
0x4b: {  	_ =	shalt  }
0x4c: {  	_ =	shalt  }
0x4d: {  	_ =	shalt  }
0x4e: {  	_ =	shalt  }
0x4f: {  	_ =	shalt  }
0x50: {  	_ =	shalt  }
0x51: {  	_ =	shalt  }
0x52: {  	_ =	shalt  }
0x53: {  	_ =	shalt  }
0x54: {  	_ =	shalt  }
0x55: {  	_ =	shalt  }
0x56: {  	_ =	shalt  }
0x57: {  	_ =	shalt  }
0x58: {  	_ =	shalt  }
0x59: {  	_ =	shalt  }
0x5a: {  	_ =	shalt  }
0x5b: {  	_ =	shalt  }
0x5c: {  	_ =	shalt  }
0x5d: {  	_ =	shalt  }
0x5e: {  	_ =	shalt  }
0x5f: {  	_ =	shalt  }
0x60: {  	_ =	shalt  }
0x61: {  	_ =	shalt  }
0x62: {  	_ =	shalt  }
0x63: {  	_ =	shalt  }
0x64: {  	_ =	shalt  }
0x65: {  	_ =	shalt  }
0x66: {  	_ =	shalt  }
0x67: {  	_ =	shalt  }
0x68: {  	_ =	shalt  }
0x69: {  	_ =	shalt  }
0x6a: {  	_ =	shalt  }
0x6b: {  	_ =	shalt  }
0x6c: {  	_ =	shalt  }
0x6d: {  	_ =	shalt  }
0x6e: {  	_ =	shalt  }
0x6f: {  	_ =	shalt  }
0x70: {  	_ =	shalt  }
0x71: {  	_ =	shalt  }
0x72: {  	_ =	shalt  }
0x73: {  	_ =	shalt  }
0x74: {  	_ =	shalt  }
0x75: {  	_ =	shalt  }
0x76: {  	_ =	shalt  }
0x77: {  	_ =	shalt  }
0x78: {  	_ =	shalt  }
0x79: {  	_ =	shalt  }
0x7a: {  	_ =	shalt  }
0x7b: {  	_ =	shalt  }
0x7c: {  	_ =	shalt  }
0x7d: {  	_ =	shalt  }
0x7e: {  	_ =	shalt  }
0x7f: {  	_ =	shalt  }
0x80: {  	_ =	shalt  }
0x81: {  	_ =	shalt  }
0x82: {  	_ =	shalt  }
0x83: {  	_ =	shalt  }
0x84: {  	_ =	shalt  }
0x85: {  	_ =	shalt  }
0x86: {  	_ =	shalt  }
0x87: {  	_ =	shalt  }
.Lfunc_end0:
.L_simem_size_0:
called_computation.1_lowered:
.L_overlay_start_0:
0x88: {  	s2 =	sld [smem:$0x3FD9]  }
0x89: {  	s3 =	sld [smem:$0x3FFE];
	_ =	sdelay $0x1  }
0x8a: {  	s1 =	srdreg.scid  }
0x8b: {  	s0 =	sand.u32 $0x1, s1  }
0x8c: {  	s17 =	sshll.u32 s0, $0xA;
	s2 =	sadd.s32 s3, s2  }
0x8d: {  	s2 =	sadd.s32 s2, s17  }
0x8e: {  	[smem:$0x3FC4] =	sst s2  }
0x8f: {  	_ = 	snop  }
0x90: {  	s18 =	sld [smem:$0x3FC8];
	(tm) =	ssettm $0x1  }
0x91: {  	s19 =	sld [smem:$0x3FFB];
	_ =	sdelay $0x3  }
0x92: {  	_ =	strace s19  }
0x93: {  	s2 =	sld [smem:$0x3FFC];
	_ =	sdelay $0x3  }
0x94: {  	_ =	strace s2  }
0x95: {  	s2 =	sld [smem:$0x3FFD];
	_ =	sdelay $0x3  }
0x96: {  	_ =	strace s2  }
0x97: {  	_ =	strace $0x8FFFFFFF  }
0x98: {  	s20 =	sld [smem:$0x3FDB];
	_ =	sdelay $0x1  }
0x99: {  	s4 =	simm.s32 $_scs_section_size  }
0x9a: {  	s5 =	simm.s32 $_size__tile_overlayer_lowered;
	s6 =	simm.s32 $_tile_overlayer_lowered  }
0x9b: {  	s7 =	simm.s32 $0x1BFF;
	s21 =	sshll.u32 s6, $0x1;
	s4 =	sadd.s32 s4, s20  }
0x9c: {  	s22 =	simm.s32 $0x0;
	s5 =	sshll.u32 s5, $0x1;
	s6 =	sadd.s32 s21, s4  }
0x9d: {  	[timem:s22], [sflag:s7] =	dma.local [hbm:s6], s5  }
0x9e: {  	_ =	swait.ge [sflag:s7], s5  }
0x9f: {  	s5 =	ssub.s32 $0x0, s5;
	[sflag:s7] =	ssyncset.done $0x0  }
0xa0: {  	[sflag:s7] =	ssyncadd.s32 s5;
	_ =	sdelay $0x1  }
0xa1: {  	s23 =	simm.s32 $0x1B8B  }
0xa2: {  	_ =	swait.ge [sflag:s23], $0x1  }
0xa3: {  	[sflag:s23] =	ssyncset.done $0x0  }
0xa4: {  	[sflag:s23] =	ssyncadd.s32 $0xFFFFFFFF  }
0xa5: {  	s5 =	sld [smem:$0x0]  }
0xa6: {  	s6 =	sand.u32 $0xFFFFFFFE, s1  }
0xa7: {  	p0 =	sne.s32 s1, s6  }
0xa8: {  	s6 =	sshll.u32 @p0 s6, $0xE  }
0xa9: {  	s6 =	sadd.s32 @p0 $0x11B8D, s6;
	s7 =	sshll.u32 @p0 s5, $0x11  }
0xaa: {  	s6 =	sor.u32 @p0 s7, s6  }
0xab: {  	[sflag:s6] =	ssyncadd.remote.s32 @p0 $0x1;
	_ =	sdelay $0x1  }
0xac: {  	s6 =	simm.s32 @p0 $0x1B8D  }
0xad: {  	_ =	swait.eq @p0 [sflag:s6], $0x1  }
0xae: {  	[sflag:s6] =	ssyncadd.s32 @p0 $0xFFFFFFFF  }
0xaf: {  	s7 =	sshll.u32 @!p0 s1, $0xE  }
0xb0: {  	s7 =	sor.u32 @!p0 $0x4000, s7;
	s6 =	simm.s32 @!p0 $0x1B8D  }
0xb1: {  	s5 =	sshll.u32 @!p0 s5, $0x11;
	s7 =	sadd.s32 @!p0 $0x11B8D, s7;
	_ =	swait.eq @!p0 [sflag:s6], $0x1  }
0xb2: {  	s5 =	sor.u32 @!p0 s5, s7;
	[sflag:s6] =	ssyncadd.s32 @!p0 $0xFFFFFFFF  }
0xb3: {  	s25 =	simm.s32 $0x1B8E;
	s24 =	sld [smem:$0x3FFE];
	[sflag:s5] =	ssyncadd.remote.s32 @!p0 $0x1  }
0xb4: {  	s26 =	simm.s32 $execute0_lowered;
	[smem:$0x3FD2] =	sst s25  }
0xb5: {  	s6 =	sshll.u32 s26, $0x1;
	_ =	strace $0x80000049;
	[dreg:$0x1] =	wrdreg $0xFFFFFFFF  }
0xb6: {  	s28 =	simm.s32 $_size_execute0_lowered;
	s4 =	sadd.s32 s4, s6;
	[dreg:$0x0] =	wrdreg $0x0  }
0xb7: {  	s6 =	sshll.u32 s28, $0x1;
	[dreg:$0x2] =	wrdreg s4  }
0xb8: {  	[dreg:$0x3] =	wrdreg s6  }
0xb9: {  	[dreg:$0x4] =	wrdreg $0xC0  }
0xba: {  	_ =	task [dreg:s22], $0x5FFFF  }
0xbb: {  	[dreg:$0x1] =	wrdreg $0xFFFFFFFF  }
0xbc: {  	[dreg:$0x0] =	wrdreg $0x60  }
0xbd: {  	[dreg:$0x2] =	wrdreg s18  }
0xbe: {  	[dreg:$0x3] =	wrdreg s24  }
0xbf: {  	[dreg:$0x4] =	wrdreg $0xA  }
0xc0: {  	_ =	task.clear_ibuf [dreg:s22], $0x5FFFF;
	_ =	strace $0x90000049  }
0xc1: {  	s29 =	simm.s32 $0xA;
	_ =	strace $0x8000004B  }
0xc2: {  	_ =	swait.ge [sflag:s29], $0x1  }
0xc3: {  	[sflag:s29] =	ssyncadd.s32 $0xFFFFFFFF  }
0xc4: {  	_ =	strace $0x9000004B  }
0xc5: {  	_ =	sfence  }
0xc6: {  	s30 =	sld [smem:$0x0];
	_ =	sdelay $0x2  }
0xc7: {  	s31 =	sshll.u32 s1, $0xD;
	s1 =	sshrl.u32 s1, $0x2  }
0xc8: {  	s4 =	sand.u32 $0x4000, s31;
	s1 =	sadd.s32 s1, s30  }
0xc9: {  	s0 =	sor.u32 s4, s0;
	s1 =	sshll.u32 s1, $0x11  }
0xca: {  	s0 =	sor.u32 s1, s0  }
0xcb: {  	s0 =	sadd.s32 $0x8F2B, s0  }
0xcc: {  	[sflag:s0] =	ssyncadd.remote.s32 $0x1  }
0xcd: {  	_ =	sfence.sel $0xFFFF  }
0xce: {  	[dreg:$0x0] =	wrdreg $0xFFFFFFFF;
	(pc) =	sbr.abs _section_cstart, $3  }
0xcf: {  	[dreg:$0x1] =	wrdreg $0xFFFFFFFF  }
0xd0: {  	_ =	task.clear_ibuf [dreg:s22], $0x2FFFF;
	_ =	strace $0x9FFFFFFF  }
0xd1: {  	(tm) =	ssettm $0x7FFFFFFF  }
tec
execute0_lowered:
.L_overlay_start_1:
0x0: {  	(tag) =	ssettag $0x1  }
0x1: {  	s4 =	rddreg [dreg:$0x0]  }
0x2: {  	s5 =	rddreg [dreg:$0x1]  }
0x3: {  	s0 =	rddreg [dreg:$0x2];
	s2 =	simm.s32 $0x0;
	s3 =	srdreg.scid  }
0x4: {  	s1 =	stileid.u32;
	s10 =	simm.s32 $0x2;
	s11 =	simm.s32 $0x80  }
0x5: {  	s12 =	simm.s32 $0x100;
	s13 =	simm.s32 $0x180;
	s14 =	simm.s32 $0x200  }
0x6: {  	s15 =	simm.s32 $0x4200;
	s16 =	simm.s32 $0x8200;
	s17 =	simm.s32 $0xC200  }
0x7: {  	s18 =	simm.s32 $0x1;
	s19 =	simm.s32 $0x0;
	s6 =	sand.u32 $0x1, s3  }
0x8: {  	[smem:$0x7FF] =	sst s2;
	s7 =	sshll.u32 s1, $0xA;
	s8 =	sshll.u32 s6, $0x9  }
0x9: {  	s3 =	sadd.s32 $0x496200, s5;
	s6 =	ssub.s32 $0x2, s6;
	s7 =	sor.u32 s8, s7  }
0xa: {  	s9 =	sshrl.u32 s6, $0x1;
	s8 =	sshll.u32 s7, $0x4;
	s7 =	sshrl.u32 s7, $0x3  }
0xb: {  	_ =	strace $0x8000004A;
	s9 =	ssub.s32 s6, s9;
	s4 =	sadd.s32 s4, s7  }
0xc: {  	s8 =	sadd.s32 s8, s5;
	s9 =	smax.u32 s9, $0x1;
	s5 =	sadd.s32 $0x10, s4  }
0xd: {  	s6 =	sadd.s32 $0x20, s4;
	s7 =	sadd.s32 $0x30, s4;
	s8 =	sadd.s32 $0x42400, s8  }
.LBB2_1:
0xe: {  	[tilespmem:s2], [sflag:$0x2] =	stream.linear.gather [hbm4b:s4+s2], $0x80, $0x38;
	[tilespmem:$0x10200] =	vst v63  }
0xf: {  	_ =	swait.ge [sflag:s10], $0x80  }
0x10: {  	[sflag:s10] =	ssyncset.done $0x0  }
0x11: {  	[sflag:s10] =	ssyncadd.s32 $0xFFFFFF80  }
0x12: {  	[tilespmem:s11], [sflag:$0x2] =	stream.linear.gather [hbm4b:s5+s2], $0x80, $0x38;
	[tilespmem:$0x10200] =	vst v63  }
0x13: {  	_ =	swait.ge [sflag:s10], $0x80  }
0x14: {  	[sflag:s10] =	ssyncset.done $0x0  }
0x15: {  	[sflag:s10] =	ssyncadd.s32 $0xFFFFFF80  }
0x16: {  	[tilespmem:s12], [sflag:$0x2] =	stream.linear.gather [hbm4b:s6+s2], $0x80, $0x38;
	[tilespmem:$0x10200] =	vst v63  }
0x17: {  	_ =	swait.ge [sflag:s10], $0x80  }
0x18: {  	[sflag:s10] =	ssyncset.done $0x0  }
0x19: {  	[sflag:s10] =	ssyncadd.s32 $0xFFFFFF80  }
0x1a: {  	[tilespmem:s13], [sflag:$0x2] =	stream.linear.gather [hbm4b:s7+s2], $0x80, $0x38;
	[tilespmem:$0x10200] =	vst v63  }
0x1b: {  	_ =	swait.ge [sflag:s10], $0x80  }
0x1c: {  	[sflag:s10] =	ssyncset.done $0x0  }
0x1d: {  	[sflag:s10] =	ssyncadd.s32 $0xFFFFFF80  }
0x1e: {  	[tilespmem:s14], [sflag:$0x1] =	stream.indirect.gather [hbm4b:s3+s11], $0x80, s2, s11, $0xb8;
	[tilespmem:$0x10200] =	vst v63  }
0x1f: {  	_ = 	snop  }
0x20: {  	[tilespmem:s15], [sflag:$0x1] =	stream.indirect.gather [hbm4b:s3+s11], $0x80, s11, s11, $0xb8;
	[tilespmem:$0x10200] =	vst v63  }
0x21: {  	_ = 	snop  }
0x22: {  	[tilespmem:s16], [sflag:$0x1] =	stream.indirect.gather [hbm4b:s3+s11], $0x80, s12, s11, $0xb8;
	[tilespmem:$0x10200] =	vst v63  }
0x23: {  	_ = 	snop  }
0x24: {  	[tilespmem:s17], [sflag:$0x1] =	stream.indirect.gather [hbm4b:s3+s11], $0x80, s13, s11, $0xb8;
	[tilespmem:$0x10200] =	vst v63  }
0x25: {  	_ =	swait.ge [sflag:s18], $0x4000  }
0x26: {  	[sflag:s18] =	ssyncset.done $0x0  }
0x27: {  	s20 =	simm.s32 $0x0;
	[sflag:s18] =	ssyncadd.s32 $0xFFFFC000  }
0x28: {  	v0 =	vld [tilespmem:s20+$0x200]  }
0x29: {  	v2 =	vld [tilespmem:s20+$0x210]  }
0x2a: {  	s21 =	simm.s32 $0x200;
	v1 =	vld [tilespmem:s20+$0x220]  }
.LBB2_2:
0x2b: {  	p0 =	sne.s32 s21, $0xFE00;
	v3 =	vld [tilespmem:s20+$0x230];
	_ =	sdelay $0x1  }
0x2c: {  	v0 =	vmul.f32 $2.500000000e-01, v0  }
.Ltmp0:
0x2d: {  	v2 =	vmul.f32 $2.500000000e-01, v2;
	(pc) =	sbr.rel @p0 .LBB2_2-.Ltmp0, $4  }
0x2e: {  	s22 =	sshra.s32 s21, $0x2;
	[tilespmem:s20+$0x200] =	vst v0;
	v1 =	vmul.f32 $2.500000000e-01, v1  }
0x2f: {  	v0 =	vld [tilespmem:s22+$0x200];
	[tilespmem:s20+$0x210] =	vst v2;
	v3 =	vmul.f32 $2.500000000e-01, v3  }
0x30: {  	v2 =	vld [tilespmem:s22+$0x210];
	[tilespmem:s20+$0x220] =	vst v1  }
0x31: {  	s21 =	sadd.s32 $0x200, s21;
	v1 =	vld [tilespmem:s22+$0x220];
	[tilespmem:s20+$0x230] =	vst v3;
	s20 =	smov.u32 s22  }
0x32: {  	v3 =	vld [tilespmem:s20+$0x230];
	_ =	sdelay $0x1  }
0x33: {  	v0 =	vmul.f32 $2.500000000e-01, v0  }
0x34: {  	v2 =	vmul.f32 $2.500000000e-01, v2  }
0x35: {  	[tilespmem:s20+$0x200] =	vst v0;
	v0 =	vmul.f32 $2.500000000e-01, v1  }
0x36: {  	[tilespmem:s20+$0x210] =	vst v2;
	v1 =	vmul.f32 $2.500000000e-01, v3  }
0x37: {  	[tilespmem:s20+$0x220] =	vst v0  }
0x38: {  	[tilespmem:s20+$0x230] =	vst v1  }
0x39: {  	_ =	swait.ge [sflag:s18], $0x4000  }
0x3a: {  	[sflag:s18] =	ssyncset.done $0x0  }
0x3b: {  	s20 =	simm.s32 $0xFFFFC000;
	[sflag:s18] =	ssyncadd.s32 $0xFFFFC000  }
0x3c: {  	v0 =	vld [tilespmem:s20+$0x8200]  }
0x3d: {  	v2 =	vld [tilespmem:s20+$0x8210]  }
0x3e: {  	s21 =	simm.s32 $0xFFFF0200;
	v1 =	vld [tilespmem:s20+$0x8220]  }
.LBB2_4:
0x3f: {  	p0 =	sne.s32 s21, $0xFFFFFE00;
	v3 =	vld [tilespmem:s20+$0x8230];
	_ =	sdelay $0x1  }
0x40: {  	v0 =	vmul.f32 $2.500000000e-01, v0  }
.Ltmp1:
0x41: {  	v2 =	vmul.f32 $2.500000000e-01, v2;
	(pc) =	sbr.rel @p0 .LBB2_4-.Ltmp1, $4  }
0x42: {  	s22 =	sshra.s32 s21, $0x2;
	[tilespmem:s20+$0x8200] =	vst v0;
	v1 =	vmul.f32 $2.500000000e-01, v1  }
0x43: {  	v0 =	vld [tilespmem:s22+$0x8200];
	[tilespmem:s20+$0x8210] =	vst v2;
	v3 =	vmul.f32 $2.500000000e-01, v3  }
0x44: {  	v2 =	vld [tilespmem:s22+$0x8210];
	[tilespmem:s20+$0x8220] =	vst v1  }
0x45: {  	s21 =	sadd.s32 $0x200, s21;
	v1 =	vld [tilespmem:s22+$0x8220];
	[tilespmem:s20+$0x8230] =	vst v3;
	s20 =	smov.u32 s22  }
0x46: {  	v3 =	vld [tilespmem:s20+$0x8230];
	_ =	sdelay $0x1  }
0x47: {  	v0 =	vmul.f32 $2.500000000e-01, v0  }
0x48: {  	v2 =	vmul.f32 $2.500000000e-01, v2  }
0x49: {  	[tilespmem:s20+$0x8200] =	vst v0;
	v0 =	vmul.f32 $2.500000000e-01, v1  }
0x4a: {  	[tilespmem:s20+$0x8210] =	vst v2;
	v1 =	vmul.f32 $2.500000000e-01, v3  }
0x4b: {  	[tilespmem:s20+$0x8220] =	vst v0  }
0x4c: {  	[tilespmem:s20+$0x8230] =	vst v1  }
0x4d: {  	_ =	swait.ge [sflag:s18], $0x4000  }
0x4e: {  	[sflag:s18] =	ssyncset.done $0x0  }
0x4f: {  	s20 =	simm.s32 $0xFFFFC000;
	[sflag:s18] =	ssyncadd.s32 $0xFFFFC000  }
0x50: {  	v0 =	vld [tilespmem:s20+$0xC200]  }
0x51: {  	v2 =	vld [tilespmem:s20+$0xC210]  }
0x52: {  	s21 =	simm.s32 $0xFFFF0200;
	v1 =	vld [tilespmem:s20+$0xC220]  }
.LBB2_6:
0x53: {  	p0 =	sne.s32 s21, $0xFFFFFE00;
	v3 =	vld [tilespmem:s20+$0xC230];
	_ =	sdelay $0x1  }
0x54: {  	v0 =	vmul.f32 $2.500000000e-01, v0  }
.Ltmp2:
0x55: {  	v2 =	vmul.f32 $2.500000000e-01, v2;
	(pc) =	sbr.rel @p0 .LBB2_6-.Ltmp2, $4  }
0x56: {  	s22 =	sshra.s32 s21, $0x2;
	[tilespmem:s20+$0xC200] =	vst v0;
	v1 =	vmul.f32 $2.500000000e-01, v1  }
0x57: {  	v0 =	vld [tilespmem:s22+$0xC200];
	[tilespmem:s20+$0xC210] =	vst v2;
	v3 =	vmul.f32 $2.500000000e-01, v3  }
0x58: {  	v2 =	vld [tilespmem:s22+$0xC210];
	[tilespmem:s20+$0xC220] =	vst v1  }
0x59: {  	s21 =	sadd.s32 $0x200, s21;
	v1 =	vld [tilespmem:s22+$0xC220];
	[tilespmem:s20+$0xC230] =	vst v3;
	s20 =	smov.u32 s22  }
0x5a: {  	v3 =	vld [tilespmem:s20+$0xC230];
	_ =	sdelay $0x1  }
0x5b: {  	v0 =	vmul.f32 $2.500000000e-01, v0  }
0x5c: {  	v2 =	vmul.f32 $2.500000000e-01, v2  }
0x5d: {  	[tilespmem:s20+$0xC200] =	vst v0;
	v0 =	vmul.f32 $2.500000000e-01, v1  }
0x5e: {  	[tilespmem:s20+$0xC210] =	vst v2;
	v1 =	vmul.f32 $2.500000000e-01, v3  }
0x5f: {  	[tilespmem:s20+$0xC220] =	vst v0  }
0x60: {  	[tilespmem:s20+$0xC230] =	vst v1  }
0x61: {  	_ =	swait.ge [sflag:s18], $0x4000  }
0x62: {  	[sflag:s18] =	ssyncset.done $0x0  }
0x63: {  	s20 =	simm.s32 $0xFFFFC000;
	[sflag:s18] =	ssyncadd.s32 $0xFFFFC000  }
0x64: {  	v0 =	vld [tilespmem:s20+$0x10200]  }
0x65: {  	v2 =	vld [tilespmem:s20+$0x10210]  }
0x66: {  	s21 =	simm.s32 $0xFFFF0200;
	v1 =	vld [tilespmem:s20+$0x10220]  }
.LBB2_8:
0x67: {  	p0 =	sne.s32 s21, $0xFFFFFE00;
	v3 =	vld [tilespmem:s20+$0x10230];
	_ =	sdelay $0x1  }
0x68: {  	v0 =	vmul.f32 $2.500000000e-01, v0  }
.Ltmp3:
0x69: {  	v2 =	vmul.f32 $2.500000000e-01, v2;
	(pc) =	sbr.rel @p0 .LBB2_8-.Ltmp3, $4  }
0x6a: {  	s22 =	sshra.s32 s21, $0x2;
	[tilespmem:s20+$0x10200] =	vst v0;
	v1 =	vmul.f32 $2.500000000e-01, v1  }
0x6b: {  	v0 =	vld [tilespmem:s22+$0x10200];
	[tilespmem:s20+$0x10210] =	vst v2;
	v3 =	vmul.f32 $2.500000000e-01, v3  }
0x6c: {  	v2 =	vld [tilespmem:s22+$0x10210];
	[tilespmem:s20+$0x10220] =	vst v1  }
0x6d: {  	s21 =	sadd.s32 $0x200, s21;
	v1 =	vld [tilespmem:s22+$0x10220];
	[tilespmem:s20+$0x10230] =	vst v3;
	s20 =	smov.u32 s22  }
0x6e: {  	v3 =	vld [tilespmem:s20+$0x10230];
	_ =	sdelay $0x1  }
0x6f: {  	v0 =	vmul.f32 $2.500000000e-01, v0  }
0x70: {  	v2 =	vmul.f32 $2.500000000e-01, v2  }
0x71: {  	[tilespmem:s20+$0x10200] =	vst v0;
	v62 =	vmul.f32 $2.500000000e-01, v1  }
0x72: {  	s19 =	sadd.s32 $0x1, s19;
	[tilespmem:s20+$0x10210] =	vst v2;
	v63 =	vmul.f32 $2.500000000e-01, v3  }
0x73: {  	p0 =	sne.s32 s19, s9;
	[tilespmem:s20+$0x10220] =	vst v62  }
.Ltmp4:
0x74: {  	[tilespmem:s20+$0x10230] =	vst v63;
	(pc) =	sbr.rel @p0 .LBB2_1-.Ltmp4, $4  }
0x75: {  	[hbm4b:s8+s2] =	stream.linear.scatter [tilespmem:s14], [sflag:$0x2], $0x10000, $0x38;
	[tilespmem:$0x10200] =	vst v63  }
0x76: {  	_ =	swait.ge [sflag:s10], $0x10000  }
0x77: {  	[sflag:s10] =	ssyncset.done $0x0  }
0x78: {  	[sflag:s10] =	ssyncadd.s32 $0xFFFF0000  }
0x79: {  	_ =	sfence.sel $0x180000  }
0x7a: {  	[bflag:$0x0] =	sbarrier.arrive $0xFFFF  }
0x7b: {  	p0 =	sne.s32 s1, $0x0;
	_ =	strace $0x9000004A  }
0x7c: {  	s0 =	sadd.s32 @!p0 $0x100000, s0;
	[bflag:$0x2] =	sbarrier.arrive $0xFFFF  }
0x7d: {  	[sflag:s0] =	ssyncadd.tile.s32 @!p0 $0x1;
	_ =	shalt  }
.Lfunc_end2:
_tile_overlayer_lowered:
.L_overlay_start_2:
0x7e: {  	(tag) =	ssettag $0x2  }
0x7f: {  	s0 =	rddreg [dreg:$0x0];
	s2 =	stileid.u32  }
0x80: {  	s1 =	rddreg [dreg:$0x1];
	p0 =	sne.s32 s2, $0x0  }
0x81: {  	s3 =	rddreg [dreg:$0x2];
	[bflag:$0x3] =	sbarrier.arrive $0xFFFF;
	s2 =	simm.s32 @!p0 $0x1C02  }
0x82: {  	[timem:s3], [sflag:s2] =	dma.local @!p0 [hbm:s0], s1  }
0x83: {  	s0 =	simm.s32 @!p0 $0x2  }
0x84: {  	_ =	swait.ge @!p0 [sflag:s0], s1  }
0x85: {  	s1 =	ssub.s32 @!p0 $0x0, s1;
	[sflag:s0] =	ssyncset.done @!p0 $0x0  }
0x86: {  	[sflag:s0] =	ssyncadd.s32 @!p0 s1  }
0x87: {  	[bflag:$0x3] =	sbarrier.arrive $0xFFFF  }
0x88: {  	_ =	shalt  }

</sc_bundles>
